<compile_context>
chip_gen: v7x
topology: tpu7x:2x2x1
jax: 0.10.2.dev20260603
libtpu: 0.0.44.dev20260713+nightly
codegen_flags: <defaults>
</compile_context>

<pallas_src>
import functools

import numpy as np
import jax
import jax.numpy as jnp
from jax import lax
from jax.experimental import pallas as pl
from jax.experimental.pallas import tpu as pltpu
from jax.experimental.pallas import tpu_sc as plsc

SEQ_LEN = 200
BATCH = 4096
VOCAB = 100000
DIM = 64

_info = plsc.get_sparse_core_info()
NC = _info.num_cores
NS = _info.num_subcores
NW = NC * NS
BATCH_W = BATCH // NW
SPLITS = ((0, 128), (128, 72))


def _pe_last_position() -> np.ndarray:
    pos = SEQ_LEN - 1
    pe = np.zeros(DIM)
    for i in range(DIM):
        if i % 2 == 0:
            pe[i] = np.sin(pos / 10000 ** (i / DIM))
        else:
            pe[i] = np.cos(pos / 10000 ** ((i - 1) / DIM))
    return pe.astype(np.float32)


_PE8 = np.tile(_pe_last_position()[None, :], (8, 1))


def _pe_add_body(t_ref, pe_ref, o_ref):
    o_ref[:, 0:DIM] = t_ref[...] + pe_ref[0:1, :]


def _add_pe_dup(table):
    nblk = 10
    rows = VOCAB // nblk
    return pl.pallas_call(
        _pe_add_body,
        grid=(nblk,),
        in_specs=[
            pl.BlockSpec((rows, DIM), lambda i: (i, 0)),
            pl.BlockSpec((8, DIM), lambda i: (0, 0)),
        ],
        out_specs=pl.BlockSpec((rows, 2 * DIM), lambda i: (i, 0)),
        out_shape=jax.ShapeDtypeStruct((VOCAB, 2 * DIM), jnp.float32),
    )(table, jnp.asarray(_PE8))


def _gathers_desc(table_hbm, idx_v, buf, sem, s):
    for h, (off, n) in enumerate(SPLITS):
        yield pltpu.make_async_copy(
            table_hbm.at[idx_v.at[2 * s + h, pl.ds(0, n)]],
            buf.at[pl.ds(off, n)],
            sem,
        )


def _copyout_desc(out_hbm, buf, sem, bbase, s):
    return pltpu.make_async_copy(buf, out_hbm.at[bbase + s], sem)


@functools.partial(
    pl.kernel,
    mesh=plsc.VectorSubcoreMesh(core_axis_name="c", subcore_axis_name="s"),
    out_type=jax.ShapeDtypeStruct((BATCH, SEQ_LEN, 2 * DIM), jnp.float32),
    scratch_types=[
        pltpu.VMEM((2 * BATCH_W, 128), jnp.int32),
        pltpu.VMEM((SEQ_LEN, 2 * DIM), jnp.float32),
        pltpu.VMEM((SEQ_LEN, 2 * DIM), jnp.float32),
        pltpu.VMEM((SEQ_LEN, 2 * DIM), jnp.float32),
        pltpu.SemaphoreType.DMA,
        pltpu.SemaphoreType.DMA,
        pltpu.SemaphoreType.DMA,
        pltpu.SemaphoreType.DMA,
        pltpu.SemaphoreType.DMA,
        pltpu.SemaphoreType.DMA,
    ],
    compiler_params=pltpu.CompilerParams(use_tc_tiling_on_sc=True),
)
def _gather(table_hbm, idx_hbm, out_hbm,
            idx_v, buf_a, buf_b, buf_c, sga, sgb, sgc, soa, sob, soc):
    wid = lax.axis_index("s") * NC + lax.axis_index("c")
    bbase = wid * BATCH_W
    pltpu.sync_copy(idx_hbm.at[pl.ds(2 * wid * BATCH_W, 2 * BATCH_W)], idx_v)

    bufs = ((buf_a, sga, soa), (buf_b, sgb, sob), (buf_c, sgc, soc))

    def fire_gathers(buf, sem, s):
        for d in _gathers_desc(table_hbm, idx_v, buf, sem, s):
            d.start()

    def wait_gathers(buf, sem, s):
        for d in _gathers_desc(table_hbm, idx_v, buf, sem, s):
            d.wait()

    fire_gathers(buf_a, sga, 0)
    fire_gathers(buf_b, sgb, 1)

    def step(t, carry):
        for k in range(3):
            s = 3 * t + k
            x_buf, x_sg, x_so = bufs[k]
            z_buf, z_sg, z_so = bufs[(k + 2) % 3]

            @pl.when((s >= 1) & (s + 2 < BATCH_W))
            def _():
                _copyout_desc(out_hbm, z_buf, z_so, bbase, s - 1).wait()

            @pl.when(s + 2 < BATCH_W)
            def _():
                fire_gathers(z_buf, z_sg, s + 2)

            @pl.when(s < BATCH_W)
            def _():
                wait_gathers(x_buf, x_sg, s)
                _copyout_desc(out_hbm, x_buf, x_so, bbase, s).start()

        return carry

    lax.fori_loop(0, (BATCH_W + 2) // 3, step, 0)
    for s in (BATCH_W - 3, BATCH_W - 2, BATCH_W - 1):
        _copyout_desc(out_hbm, bufs[s % 3][0], bufs[s % 3][2], bbase, s).wait()


def kernel(inputs, table):
    table_dup = _add_pe_dup(table)
    idx = jnp.pad(inputs, ((0, 0), (0, 256 - SEQ_LEN))).reshape(2 * BATCH, 128)
    return _gather(table_dup, idx)[:, :, :DIM]

# --- scband reference (transcript-rebuilt; emitter-appended) ---
"""Pipeline reference for scband-embeddings-21981642621282 (READ-ONLY COPY).

The authoritative reference and input builder live on the scoring server;
editing this copy changes nothing except your own understanding.
"""

import jax, jax.numpy as jnp
import numpy as np

SEQUENCE_LENGTH = 200
VOCAB_SIZE = 100000
EMBED_DIM = 64


def positional_encoding(model_size, sequence_length):
    # Faithful to the original buggy implementation: the append is OUTSIDE the
    # position loop, so only the PE of the LAST position survives.
    output = []
    PE = np.zeros(model_size)
    for pos in range(sequence_length):
        PE = np.zeros(model_size)
        for i in range(model_size):
            if i % 2 == 0:
                PE[i] = np.sin(pos / 10000 ** (i / model_size))
            else:
                PE[i] = np.cos(pos / 10000 ** ((i - 1) / model_size))
    output.append(PE[None, :])
    out = np.concatenate(output, axis=0)  # [1, model_size]
    out = out[:, None, :]  # [1, 1, model_size]
    return jnp.asarray(out, dtype=jnp.float32)


def setup_inputs(seed: int = 0) -> dict:
    key = jax.random.key(seed)
    k_idx, k_tab = jax.random.split(key)
    inputs = jax.random.randint(k_idx, (4096, 200), 0, VOCAB_SIZE, dtype=jnp.int64 if jax.config.jax_enable_x64 else jnp.int32).astype(jnp.int32)
    table = jax.random.normal(k_tab, (VOCAB_SIZE, EMBED_DIM), dtype=jnp.float32) * 0.05
    return {"inputs": inputs, "table": table}


def reference(inputs, table):
    embedded_tokens = jnp.take(table, inputs, axis=0)  # [B, L, D]
    embedded_positions = positional_encoding(EMBED_DIM, SEQUENCE_LENGTH)  # [1, 1, D]
    return embedded_tokens + embedded_positions

if __name__ == "__main__":
    import jax
    _d = setup_inputs()
    print(jax.jit(kernel)(*tuple(_d.values())))

</pallas_src>

<mosaic_0001>
#map = affine_map<(d0, d1) -> (0, 0)>
#map1 = affine_map<(d0, d1) -> (0, 0, 0)>
module attributes {stable_mosaic.version = 14 : i64} {
  func.func @_gather(%arg0: i32, %arg1: i32, %arg2: memref<100000x128xf32, #tpu.memory_space<hbm>>, %arg3: memref<8192x128xi32, #tpu.memory_space<hbm>>, %arg4: memref<4096x200x128xf32, #tpu.memory_space<hbm>>, %arg5: memref<256x128xi32, #tpu.memory_space<vmem>>, %arg6: memref<200x128xf32, #tpu.memory_space<vmem>>, %arg7: memref<200x128xf32, #tpu.memory_space<vmem>>, %arg8: memref<200x128xf32, #tpu.memory_space<vmem>>, %arg9: memref<!tpu.dma_semaphore, #tpu.memory_space<semaphore_mem>>, %arg10: memref<!tpu.dma_semaphore, #tpu.memory_space<semaphore_mem>>, %arg11: memref<!tpu.dma_semaphore, #tpu.memory_space<semaphore_mem>>, %arg12: memref<!tpu.dma_semaphore, #tpu.memory_space<semaphore_mem>>, %arg13: memref<!tpu.dma_semaphore, #tpu.memory_space<semaphore_mem>>, %arg14: memref<!tpu.dma_semaphore, #tpu.memory_space<semaphore_mem>>) attributes {dimension_semantics = [#tpu.dimension_semantics<core_parallel>, #tpu.dimension_semantics<subcore_parallel>], iteration_bounds = array<i64: 2, 16>, scalar_prefetch = 0 : i64, scratch_operands = 10 : i64, tpu.core_type = #tpu.core_type<sc_vector_subcore>, window_params = [{transform_indices = #map}, {transform_indices = #map}, {transform_indices = #map1}]} {
    %mul3A = arith.constant 2 : i32
    %mul3A_0 = arith.muli %arg1, %mul3A : i32
    %add3A = arith.addi %mul3A_0, %arg0 : i32
    %mul3A_1 = arith.constant 128 : i32
    %mul3A_2 = arith.muli %add3A, %mul3A_1 : i32
    %mul3A_3 = arith.constant 2 : i32
    %mul3A_4 = arith.muli %mul3A_3, %add3A : i32
    %mul3A_5 = arith.constant 128 : i32
    %mul3A_6 = arith.muli %mul3A_4, %mul3A_5 : i32
    "tpu.region"() ({
      %run_scoped3A = tpu.sem_alloc : memref<!tpu.dma_semaphore, #tpu.memory_space<semaphore_mem>>
      %dma_start3A_80 = arith.constant 0 : i32
      %dma_start3A_81 = tpu.memref_slice %arg3[%mul3A_6, %dma_start3A_80] : memref<8192x128xi32, #tpu.memory_space<hbm>> -> memref<256x128xi32, #tpu.memory_space<hbm>>
      %dma_start3A_82 = arith.constant 0 : i32
      %dma_start3A_83 = tpu.memref_slice %arg3[%mul3A_6, %dma_start3A_82] : memref<8192x128xi32, #tpu.memory_space<hbm>> -> memref<256x128xi32, #tpu.memory_space<hbm>>
      tpu.enqueue_dma source(%dma_start3A_83 : memref<256x128xi32, #tpu.memory_space<hbm>>) target(%arg5 : memref<256x128xi32, #tpu.memory_space<vmem>>) target_semaphore(%run_scoped3A : memref<!tpu.dma_semaphore, #tpu.memory_space<semaphore_mem>>)
      %dma_wait3A_84 = arith.constant 0 : i32
      %dma_wait3A_85 = tpu.memref_slice %arg3[%mul3A_6, %dma_wait3A_84] : memref<8192x128xi32, #tpu.memory_space<hbm>> -> memref<256x128xi32, #tpu.memory_space<hbm>>
      %dma_wait3A_86 = arith.constant 0 : i32
      %dma_wait3A_87 = tpu.memref_slice %arg3[%mul3A_6, %dma_wait3A_86] : memref<8192x128xi32, #tpu.memory_space<hbm>> -> memref<256x128xi32, #tpu.memory_space<hbm>>
      tpu.wait_dma2 semaphore(%run_scoped3A : memref<!tpu.dma_semaphore, #tpu.memory_space<semaphore_mem>>) src(%dma_wait3A_87 : memref<256x128xi32, #tpu.memory_space<hbm>>) dst(%arg5 : memref<256x128xi32, #tpu.memory_space<vmem>>)
      tpu.yield
    }) : () -> ()
    %dma_start3A = arith.constant 0 : i32
    %dma_start3A_7 = arith.constant 0 : i32
    %dma_start3A_8 = arith.constant 0 : i32
    %dma_start3A_9 = tpu.memref_slice %arg6[%dma_start3A_7, %dma_start3A_8] : memref<200x128xf32, #tpu.memory_space<vmem>> -> memref<128x128xf32, #tpu.memory_space<vmem>>
    %dma_start3A_10 = arith.constant 0 : i32
    %dma_start3A_11 = tpu.memref_slice %arg5[%dma_start3A, %dma_start3A_10] : memref<256x128xi32, #tpu.memory_space<vmem>> -> memref<1x128xi32, #tpu.memory_space<vmem>>
    %dma_start3A_12 = tpu.memref_squeeze %dma_start3A_11 : memref<1x128xi32, #tpu.memory_space<vmem>> -> memref<128xi32, #tpu.memory_space<vmem>>
    %dma_start3A_13 = arith.constant 0 : i32
    %dma_start3A_14 = arith.constant 0 : i32
    %dma_start3A_15 = tpu.memref_slice %arg2[%dma_start3A_13, %dma_start3A_14] : memref<100000x128xf32, #tpu.memory_space<hbm>> -> memref<100000x128xf32, #tpu.memory_space<hbm>>
    tpu.enqueue_indirect_dma source(%dma_start3A_15 : memref<100000x128xf32, #tpu.memory_space<hbm>>) target(%dma_start3A_9 : memref<128x128xf32, #tpu.memory_space<vmem>>) offsets(%dma_start3A_12 : memref<128xi32, #tpu.memory_space<vmem>>) semaphore(%arg9 : memref<!tpu.dma_semaphore, #tpu.memory_space<semaphore_mem>>)
    %dma_start3A_16 = arith.constant 1 : i32
    %dma_start3A_17 = arith.constant 128 : i32
    %dma_start3A_18 = arith.constant 0 : i32
    %dma_start3A_19 = tpu.memref_slice %arg6[%dma_start3A_17, %dma_start3A_18] : memref<200x128xf32, #tpu.memory_space<vmem>> -> memref<72x128xf32, #tpu.memory_space<vmem>>
    %dma_start3A_20 = arith.constant 0 : i32
    %dma_start3A_21 = tpu.memref_slice %arg5[%dma_start3A_16, %dma_start3A_20] : memref<256x128xi32, #tpu.memory_space<vmem>> -> memref<1x72xi32, #tpu.memory_space<vmem>>
    %dma_start3A_22 = tpu.memref_squeeze %dma_start3A_21 : memref<1x72xi32, #tpu.memory_space<vmem>> -> memref<72xi32, #tpu.memory_space<vmem>>
    %dma_start3A_23 = arith.constant 0 : i32
    %dma_start3A_24 = arith.constant 0 : i32
    %dma_start3A_25 = tpu.memref_slice %arg2[%dma_start3A_23, %dma_start3A_24] : memref<100000x128xf32, #tpu.memory_space<hbm>> -> memref<100000x128xf32, #tpu.memory_space<hbm>>
    tpu.enqueue_indirect_dma source(%dma_start3A_25 : memref<100000x128xf32, #tpu.memory_space<hbm>>) target(%dma_start3A_19 : memref<72x128xf32, #tpu.memory_space<vmem>>) offsets(%dma_start3A_22 : memref<72xi32, #tpu.memory_space<vmem>>) semaphore(%arg9 : memref<!tpu.dma_semaphore, #tpu.memory_space<semaphore_mem>>)
    %dma_start3A_26 = arith.constant 2 : i32
    %dma_start3A_27 = arith.constant 0 : i32
    %dma_start3A_28 = arith.constant 0 : i32
    %dma_start3A_29 = tpu.memref_slice %arg7[%dma_start3A_27, %dma_start3A_28] : memref<200x128xf32, #tpu.memory_space<vmem>> -> memref<128x128xf32, #tpu.memory_space<vmem>>
    %dma_start3A_30 = arith.constant 0 : i32
    %dma_start3A_31 = tpu.memref_slice %arg5[%dma_start3A_26, %dma_start3A_30] : memref<256x128xi32, #tpu.memory_space<vmem>> -> memref<1x128xi32, #tpu.memory_space<vmem>>
    %dma_start3A_32 = tpu.memref_squeeze %dma_start3A_31 : memref<1x128xi32, #tpu.memory_space<vmem>> -> memref<128xi32, #tpu.memory_space<vmem>>
    %dma_start3A_33 = arith.constant 0 : i32
    %dma_start3A_34 = arith.constant 0 : i32
    %dma_start3A_35 = tpu.memref_slice %arg2[%dma_start3A_33, %dma_start3A_34] : memref<100000x128xf32, #tpu.memory_space<hbm>> -> memref<100000x128xf32, #tpu.memory_space<hbm>>
    tpu.enqueue_indirect_dma source(%dma_start3A_35 : memref<100000x128xf32, #tpu.memory_space<hbm>>) target(%dma_start3A_29 : memref<128x128xf32, #tpu.memory_space<vmem>>) offsets(%dma_start3A_32 : memref<128xi32, #tpu.memory_space<vmem>>) semaphore(%arg10 : memref<!tpu.dma_semaphore, #tpu.memory_space<semaphore_mem>>)
    %dma_start3A_36 = arith.constant 3 : i32
    %dma_start3A_37 = arith.constant 128 : i32
    %dma_start3A_38 = arith.constant 0 : i32
    %dma_start3A_39 = tpu.memref_slice %arg7[%dma_start3A_37, %dma_start3A_38] : memref<200x128xf32, #tpu.memory_space<vmem>> -> memref<72x128xf32, #tpu.memory_space<vmem>>
    %dma_start3A_40 = arith.constant 0 : i32
    %dma_start3A_41 = tpu.memref_slice %arg5[%dma_start3A_36, %dma_start3A_40] : memref<256x128xi32, #tpu.memory_space<vmem>> -> memref<1x72xi32, #tpu.memory_space<vmem>>
    %dma_start3A_42 = tpu.memref_squeeze %dma_start3A_41 : memref<1x72xi32, #tpu.memory_space<vmem>> -> memref<72xi32, #tpu.memory_space<vmem>>
    %dma_start3A_43 = arith.constant 0 : i32
    %dma_start3A_44 = arith.constant 0 : i32
    %dma_start3A_45 = tpu.memref_slice %arg2[%dma_start3A_43, %dma_start3A_44] : memref<100000x128xf32, #tpu.memory_space<hbm>> -> memref<100000x128xf32, #tpu.memory_space<hbm>>
    tpu.enqueue_indirect_dma source(%dma_start3A_45 : memref<100000x128xf32, #tpu.memory_space<hbm>>) target(%dma_start3A_39 : memref<72x128xf32, #tpu.memory_space<vmem>>) offsets(%dma_start3A_42 : memref<72xi32, #tpu.memory_space<vmem>>) semaphore(%arg10 : memref<!tpu.dma_semaphore, #tpu.memory_space<semaphore_mem>>)
    %scan3A = arith.constant 0 : i32
    %scan3A_46 = arith.constant 0 : i32
    %scan3A_47 = arith.constant 43 : i32
    %scan3A_48 = arith.addi %scan3A_46, %scan3A_47 : i32
    %scan3A_49 = arith.constant 1 : i32
    scf.for %scan3A_80 = %scan3A_46 to %scan3A_48 step %scan3A_49  : i32 {
      %mul3A_81 = arith.constant 3 : i32
      %mul3A_82 = arith.muli %mul3A_81, %scan3A_80 : i32
      %add3A_83 = arith.constant 0 : i32
      %add3A_84 = arith.addi %mul3A_82, %add3A_83 : i32
      %ge3A = arith.constant 1 : i32
      %ge3A_85 = arith.cmpi sge, %add3A_84, %ge3A : i32
      %add3A_86 = arith.constant 2 : i32
      %add3A_87 = arith.addi %add3A_84, %add3A_86 : i32
      %lt3A = arith.constant 128 : i32
      %lt3A_88 = arith.cmpi slt, %add3A_87, %lt3A : i32
      %and3A = arith.andi %ge3A_85, %lt3A_88 : i1
      %convert_element_type3A = arith.extui %and3A : i1 to i32
      %cond3A = arith.constant 0 : i32
      %cond3A_89 = arith.cmpi ne, %convert_element_type3A, %cond3A : i32
      scf.if %cond3A_89 {
        %sub3A = arith.constant 1 : i32
        %sub3A_154 = arith.subi %add3A_84, %sub3A : i32
        %add3A_155 = arith.addi %mul3A_2, %sub3A_154 : i32
        %dma_wait3A_156 = arith.constant 0 : i32
        %dma_wait3A_157 = arith.constant 0 : i32
        %dma_wait3A_158 = tpu.memref_slice %arg4[%add3A_155, %dma_wait3A_156, %dma_wait3A_157] : memref<4096x200x128xf32, #tpu.memory_space<hbm>> -> memref<1x200x128xf32, #tpu.memory_space<hbm>>
        %dma_wait3A_159 = tpu.memref_squeeze %dma_wait3A_158 : memref<1x200x128xf32, #tpu.memory_space<hbm>> -> memref<200x128xf32, #tpu.memory_space<hbm>>
        %dma_wait3A_160 = arith.constant 0 : i32
        %dma_wait3A_161 = arith.constant 0 : i32
        %dma_wait3A_162 = tpu.memref_slice %arg4[%add3A_155, %dma_wait3A_160, %dma_wait3A_161] : memref<4096x200x128xf32, #tpu.memory_space<hbm>> -> memref<1x200x128xf32, #tpu.memory_space<hbm>>
        %dma_wait3A_163 = tpu.memref_squeeze %dma_wait3A_162 : memref<1x200x128xf32, #tpu.memory_space<hbm>> -> memref<200x128xf32, #tpu.memory_space<hbm>>
        tpu.wait_dma2 semaphore(%arg14 : memref<!tpu.dma_semaphore, #tpu.memory_space<semaphore_mem>>) src(%arg8 : memref<200x128xf32, #tpu.memory_space<vmem>>) dst(%dma_wait3A_163 : memref<200x128xf32, #tpu.memory_space<hbm>>)
      } else {
      }
      %add3A_90 = arith.constant 2 : i32
      %add3A_91 = arith.addi %add3A_84, %add3A_90 : i32
      %lt3A_92 = arith.constant 128 : i32
      %lt3A_93 = arith.cmpi slt, %add3A_91, %lt3A_92 : i32
      %convert_element_type3A_94 = arith.extui %lt3A_93 : i1 to i32
      %cond3A_95 = arith.constant 0 : i32
      %cond3A_96 = arith.cmpi ne, %convert_element_type3A_94, %cond3A_95 : i32
      scf.if %cond3A_96 {
        %add3A_154 = arith.constant 2 : i32
        %add3A_155 = arith.addi %add3A_84, %add3A_154 : i32
        %mul3A_156 = arith.constant 2 : i32
        %mul3A_157 = arith.muli %mul3A_156, %add3A_155 : i32
        %add3A_158 = arith.constant 0 : i32
        %add3A_159 = arith.addi %mul3A_157, %add3A_158 : i32
        %dma_start3A_160 = arith.constant 0 : i32
        %dma_start3A_161 = arith.constant 0 : i32
        %dma_start3A_162 = tpu.memref_slice %arg8[%dma_start3A_160, %dma_start3A_161] : memref<200x128xf32, #tpu.memory_space<vmem>> -> memref<128x128xf32, #tpu.memory_space<vmem>>
        %dma_start3A_163 = arith.constant 0 : i32
        %dma_start3A_164 = tpu.memref_slice %arg5[%add3A_159, %dma_start3A_163] : memref<256x128xi32, #tpu.memory_space<vmem>> -> memref<1x128xi32, #tpu.memory_space<vmem>>
        %dma_start3A_165 = tpu.memref_squeeze %dma_start3A_164 : memref<1x128xi32, #tpu.memory_space<vmem>> -> memref<128xi32, #tpu.memory_space<vmem>>
        %dma_start3A_166 = arith.constant 0 : i32
        %dma_start3A_167 = arith.constant 0 : i32
        %dma_start3A_168 = tpu.memref_slice %arg2[%dma_start3A_166, %dma_start3A_167] : memref<100000x128xf32, #tpu.memory_space<hbm>> -> memref<100000x128xf32, #tpu.memory_space<hbm>>
        tpu.enqueue_indirect_dma source(%dma_start3A_168 : memref<100000x128xf32, #tpu.memory_space<hbm>>) target(%dma_start3A_162 : memref<128x128xf32, #tpu.memory_space<vmem>>) offsets(%dma_start3A_165 : memref<128xi32, #tpu.memory_space<vmem>>) semaphore(%arg11 : memref<!tpu.dma_semaphore, #tpu.memory_space<semaphore_mem>>)
        %mul3A_169 = arith.constant 2 : i32
        %mul3A_170 = arith.muli %mul3A_169, %add3A_155 : i32
        %add3A_171 = arith.constant 1 : i32
        %add3A_172 = arith.addi %mul3A_170, %add3A_171 : i32
        %dma_start3A_173 = arith.constant 128 : i32
        %dma_start3A_174 = arith.constant 0 : i32
        %dma_start3A_175 = tpu.memref_slice %arg8[%dma_start3A_173, %dma_start3A_174] : memref<200x128xf32, #tpu.memory_space<vmem>> -> memref<72x128xf32, #tpu.memory_space<vmem>>
        %dma_start3A_176 = arith.constant 0 : i32
        %dma_start3A_177 = tpu.memref_slice %arg5[%add3A_172, %dma_start3A_176] : memref<256x128xi32, #tpu.memory_space<vmem>> -> memref<1x72xi32, #tpu.memory_space<vmem>>
        %dma_start3A_178 = tpu.memref_squeeze %dma_start3A_177 : memref<1x72xi32, #tpu.memory_space<vmem>> -> memref<72xi32, #tpu.memory_space<vmem>>
        %dma_start3A_179 = arith.constant 0 : i32
        %dma_start3A_180 = arith.constant 0 : i32
        %dma_start3A_181 = tpu.memref_slice %arg2[%dma_start3A_179, %dma_start3A_180] : memref<100000x128xf32, #tpu.memory_space<hbm>> -> memref<100000x128xf32, #tpu.memory_space<hbm>>
        tpu.enqueue_indirect_dma source(%dma_start3A_181 : memref<100000x128xf32, #tpu.memory_space<hbm>>) target(%dma_start3A_175 : memref<72x128xf32, #tpu.memory_space<vmem>>) offsets(%dma_start3A_178 : memref<72xi32, #tpu.memory_space<vmem>>) semaphore(%arg11 : memref<!tpu.dma_semaphore, #tpu.memory_space<semaphore_mem>>)
      } else {
      }
      %lt3A_97 = arith.constant 128 : i32
      %lt3A_98 = arith.cmpi slt, %add3A_84, %lt3A_97 : i32
      %convert_element_type3A_99 = arith.extui %lt3A_98 : i1 to i32
      %cond3A_100 = arith.constant 0 : i32
      %cond3A_101 = arith.cmpi ne, %convert_element_type3A_99, %cond3A_100 : i32
      scf.if %cond3A_101 {
        %mul3A_154 = arith.constant 2 : i32
        %mul3A_155 = arith.muli %mul3A_154, %add3A_84 : i32
        %add3A_156 = arith.constant 0 : i32
        %add3A_157 = arith.addi %mul3A_155, %add3A_156 : i32
        %dma_wait3A_158 = arith.constant 0 : i32
        %dma_wait3A_159 = arith.constant 0 : i32
        %dma_wait3A_160 = tpu.memref_slice %arg6[%dma_wait3A_158, %dma_wait3A_159] : memref<200x128xf32, #tpu.memory_space<vmem>> -> memref<128x128xf32, #tpu.memory_space<vmem>>
        %dma_wait3A_161 = arith.constant 0 : i32
        %dma_wait3A_162 = tpu.memref_slice %arg5[%add3A_157, %dma_wait3A_161] : memref<256x128xi32, #tpu.memory_space<vmem>> -> memref<1x128xi32, #tpu.memory_space<vmem>>
        %dma_wait3A_163 = tpu.memref_squeeze %dma_wait3A_162 : memref<1x128xi32, #tpu.memory_space<vmem>> -> memref<128xi32, #tpu.memory_space<vmem>>
        %dma_wait3A_164 = arith.constant 0 : i32
        %dma_wait3A_165 = arith.constant 0 : i32
        %dma_wait3A_166 = tpu.memref_slice %arg2[%dma_wait3A_164, %dma_wait3A_165] : memref<100000x128xf32, #tpu.memory_space<hbm>> -> memref<100000x128xf32, #tpu.memory_space<hbm>>
        tpu.wait_indirect_dma semaphore(%arg9 : memref<!tpu.dma_semaphore, #tpu.memory_space<semaphore_mem>>) src(%dma_wait3A_166 : memref<100000x128xf32, #tpu.memory_space<hbm>>) dst(%dma_wait3A_160 : memref<128x128xf32, #tpu.memory_space<vmem>>)
        %mul3A_167 = arith.constant 2 : i32
        %mul3A_168 = arith.muli %mul3A_167, %add3A_84 : i32
        %add3A_169 = arith.constant 1 : i32
        %add3A_170 = arith.addi %mul3A_168, %add3A_169 : i32
        %dma_wait3A_171 = arith.constant 128 : i32
        %dma_wait3A_172 = arith.constant 0 : i32
        %dma_wait3A_173 = tpu.memref_slice %arg6[%dma_wait3A_171, %dma_wait3A_172] : memref<200x128xf32, #tpu.memory_space<vmem>> -> memref<72x128xf32, #tpu.memory_space<vmem>>
        %dma_wait3A_174 = arith.constant 0 : i32
        %dma_wait3A_175 = tpu.memref_slice %arg5[%add3A_170, %dma_wait3A_174] : memref<256x128xi32, #tpu.memory_space<vmem>> -> memref<1x72xi32, #tpu.memory_space<vmem>>
        %dma_wait3A_176 = tpu.memref_squeeze %dma_wait3A_175 : memref<1x72xi32, #tpu.memory_space<vmem>> -> memref<72xi32, #tpu.memory_space<vmem>>
        %dma_wait3A_177 = arith.constant 0 : i32
        %dma_wait3A_178 = arith.constant 0 : i32
        %dma_wait3A_179 = tpu.memref_slice %arg2[%dma_wait3A_177, %dma_wait3A_178] : memref<100000x128xf32, #tpu.memory_space<hbm>> -> memref<100000x128xf32, #tpu.memory_space<hbm>>
        tpu.wait_indirect_dma semaphore(%arg9 : memref<!tpu.dma_semaphore, #tpu.memory_space<semaphore_mem>>) src(%dma_wait3A_179 : memref<100000x128xf32, #tpu.memory_space<hbm>>) dst(%dma_wait3A_173 : memref<72x128xf32, #tpu.memory_space<vmem>>)
        %add3A_180 = arith.addi %mul3A_2, %add3A_84 : i32
        %dma_start3A_181 = arith.constant 0 : i32
        %dma_start3A_182 = arith.constant 0 : i32
        %dma_start3A_183 = tpu.memref_slice %arg4[%add3A_180, %dma_start3A_181, %dma_start3A_182] : memref<4096x200x128xf32, #tpu.memory_space<hbm>> -> memref<1x200x128xf32, #tpu.memory_space<hbm>>
        %dma_start3A_184 = tpu.memref_squeeze %dma_start3A_183 : memref<1x200x128xf32, #tpu.memory_space<hbm>> -> memref<200x128xf32, #tpu.memory_space<hbm>>
        %dma_start3A_185 = arith.constant 0 : i32
        %dma_start3A_186 = arith.constant 0 : i32
        %dma_start3A_187 = tpu.memref_slice %arg4[%add3A_180, %dma_start3A_185, %dma_start3A_186] : memref<4096x200x128xf32, #tpu.memory_space<hbm>> -> memref<1x200x128xf32, #tpu.memory_space<hbm>>
        %dma_start3A_188 = tpu.memref_squeeze %dma_start3A_187 : memref<1x200x128xf32, #tpu.memory_space<hbm>> -> memref<200x128xf32, #tpu.memory_space<hbm>>
        tpu.enqueue_dma source(%arg6 : memref<200x128xf32, #tpu.memory_space<vmem>>) target(%dma_start3A_188 : memref<200x128xf32, #tpu.memory_space<hbm>>) target_semaphore(%arg12 : memref<!tpu.dma_semaphore, #tpu.memory_space<semaphore_mem>>)
      } else {
      }
      %mul3A_102 = arith.constant 3 : i32
      %mul3A_103 = arith.muli %mul3A_102, %scan3A_80 : i32
      %add3A_104 = arith.constant 1 : i32
      %add3A_105 = arith.addi %mul3A_103, %add3A_104 : i32
      %ge3A_106 = arith.constant 1 : i32
      %ge3A_107 = arith.cmpi sge, %add3A_105, %ge3A_106 : i32
      %add3A_108 = arith.constant 2 : i32
      %add3A_109 = arith.addi %add3A_105, %add3A_108 : i32
      %lt3A_110 = arith.constant 128 : i32
      %lt3A_111 = arith.cmpi slt, %add3A_109, %lt3A_110 : i32
      %and3A_112 = arith.andi %ge3A_107, %lt3A_111 : i1
      %convert_element_type3A_113 = arith.extui %and3A_112 : i1 to i32
      %cond3A_114 = arith.constant 0 : i32
      %cond3A_115 = arith.cmpi ne, %convert_element_type3A_113, %cond3A_114 : i32
      scf.if %cond3A_115 {
        %sub3A = arith.constant 1 : i32
        %sub3A_154 = arith.subi %add3A_105, %sub3A : i32
        %add3A_155 = arith.addi %mul3A_2, %sub3A_154 : i32
        %dma_wait3A_156 = arith.constant 0 : i32
        %dma_wait3A_157 = arith.constant 0 : i32
        %dma_wait3A_158 = tpu.memref_slice %arg4[%add3A_155, %dma_wait3A_156, %dma_wait3A_157] : memref<4096x200x128xf32, #tpu.memory_space<hbm>> -> memref<1x200x128xf32, #tpu.memory_space<hbm>>
        %dma_wait3A_159 = tpu.memref_squeeze %dma_wait3A_158 : memref<1x200x128xf32, #tpu.memory_space<hbm>> -> memref<200x128xf32, #tpu.memory_space<hbm>>
        %dma_wait3A_160 = arith.constant 0 : i32
        %dma_wait3A_161 = arith.constant 0 : i32
        %dma_wait3A_162 = tpu.memref_slice %arg4[%add3A_155, %dma_wait3A_160, %dma_wait3A_161] : memref<4096x200x128xf32, #tpu.memory_space<hbm>> -> memref<1x200x128xf32, #tpu.memory_space<hbm>>
        %dma_wait3A_163 = tpu.memref_squeeze %dma_wait3A_162 : memref<1x200x128xf32, #tpu.memory_space<hbm>> -> memref<200x128xf32, #tpu.memory_space<hbm>>
        tpu.wait_dma2 semaphore(%arg12 : memref<!tpu.dma_semaphore, #tpu.memory_space<semaphore_mem>>) src(%arg6 : memref<200x128xf32, #tpu.memory_space<vmem>>) dst(%dma_wait3A_163 : memref<200x128xf32, #tpu.memory_space<hbm>>)
      } else {
      }
      %add3A_116 = arith.constant 2 : i32
      %add3A_117 = arith.addi %add3A_105, %add3A_116 : i32
      %lt3A_118 = arith.constant 128 : i32
      %lt3A_119 = arith.cmpi slt, %add3A_117, %lt3A_118 : i32
      %convert_element_type3A_120 = arith.extui %lt3A_119 : i1 to i32
      %cond3A_121 = arith.constant 0 : i32
      %cond3A_122 = arith.cmpi ne, %convert_element_type3A_120, %cond3A_121 : i32
      scf.if %cond3A_122 {
        %add3A_154 = arith.constant 2 : i32
        %add3A_155 = arith.addi %add3A_105, %add3A_154 : i32
        %mul3A_156 = arith.constant 2 : i32
        %mul3A_157 = arith.muli %mul3A_156, %add3A_155 : i32
        %add3A_158 = arith.constant 0 : i32
        %add3A_159 = arith.addi %mul3A_157, %add3A_158 : i32
        %dma_start3A_160 = arith.constant 0 : i32
        %dma_start3A_161 = arith.constant 0 : i32
        %dma_start3A_162 = tpu.memref_slice %arg6[%dma_start3A_160, %dma_start3A_161] : memref<200x128xf32, #tpu.memory_space<vmem>> -> memref<128x128xf32, #tpu.memory_space<vmem>>
        %dma_start3A_163 = arith.constant 0 : i32
        %dma_start3A_164 = tpu.memref_slice %arg5[%add3A_159, %dma_start3A_163] : memref<256x128xi32, #tpu.memory_space<vmem>> -> memref<1x128xi32, #tpu.memory_space<vmem>>
        %dma_start3A_165 = tpu.memref_squeeze %dma_start3A_164 : memref<1x128xi32, #tpu.memory_space<vmem>> -> memref<128xi32, #tpu.memory_space<vmem>>
        %dma_start3A_166 = arith.constant 0 : i32
        %dma_start3A_167 = arith.constant 0 : i32
        %dma_start3A_168 = tpu.memref_slice %arg2[%dma_start3A_166, %dma_start3A_167] : memref<100000x128xf32, #tpu.memory_space<hbm>> -> memref<100000x128xf32, #tpu.memory_space<hbm>>
        tpu.enqueue_indirect_dma source(%dma_start3A_168 : memref<100000x128xf32, #tpu.memory_space<hbm>>) target(%dma_start3A_162 : memref<128x128xf32, #tpu.memory_space<vmem>>) offsets(%dma_start3A_165 : memref<128xi32, #tpu.memory_space<vmem>>) semaphore(%arg9 : memref<!tpu.dma_semaphore, #tpu.memory_space<semaphore_mem>>)
        %mul3A_169 = arith.constant 2 : i32
        %mul3A_170 = arith.muli %mul3A_169, %add3A_155 : i32
        %add3A_171 = arith.constant 1 : i32
        %add3A_172 = arith.addi %mul3A_170, %add3A_171 : i32
        %dma_start3A_173 = arith.constant 128 : i32
        %dma_start3A_174 = arith.constant 0 : i32
        %dma_start3A_175 = tpu.memref_slice %arg6[%dma_start3A_173, %dma_start3A_174] : memref<200x128xf32, #tpu.memory_space<vmem>> -> memref<72x128xf32, #tpu.memory_space<vmem>>
        %dma_start3A_176 = arith.constant 0 : i32
        %dma_start3A_177 = tpu.memref_slice %arg5[%add3A_172, %dma_start3A_176] : memref<256x128xi32, #tpu.memory_space<vmem>> -> memref<1x72xi32, #tpu.memory_space<vmem>>
        %dma_start3A_178 = tpu.memref_squeeze %dma_start3A_177 : memref<1x72xi32, #tpu.memory_space<vmem>> -> memref<72xi32, #tpu.memory_space<vmem>>
        %dma_start3A_179 = arith.constant 0 : i32
        %dma_start3A_180 = arith.constant 0 : i32
        %dma_start3A_181 = tpu.memref_slice %arg2[%dma_start3A_179, %dma_start3A_180] : memref<100000x128xf32, #tpu.memory_space<hbm>> -> memref<100000x128xf32, #tpu.memory_space<hbm>>
        tpu.enqueue_indirect_dma source(%dma_start3A_181 : memref<100000x128xf32, #tpu.memory_space<hbm>>) target(%dma_start3A_175 : memref<72x128xf32, #tpu.memory_space<vmem>>) offsets(%dma_start3A_178 : memref<72xi32, #tpu.memory_space<vmem>>) semaphore(%arg9 : memref<!tpu.dma_semaphore, #tpu.memory_space<semaphore_mem>>)
      } else {
      }
      %lt3A_123 = arith.constant 128 : i32
      %lt3A_124 = arith.cmpi slt, %add3A_105, %lt3A_123 : i32
      %convert_element_type3A_125 = arith.extui %lt3A_124 : i1 to i32
      %cond3A_126 = arith.constant 0 : i32
      %cond3A_127 = arith.cmpi ne, %convert_element_type3A_125, %cond3A_126 : i32
      scf.if %cond3A_127 {
        %mul3A_154 = arith.constant 2 : i32
        %mul3A_155 = arith.muli %mul3A_154, %add3A_105 : i32
        %add3A_156 = arith.constant 0 : i32
        %add3A_157 = arith.addi %mul3A_155, %add3A_156 : i32
        %dma_wait3A_158 = arith.constant 0 : i32
        %dma_wait3A_159 = arith.constant 0 : i32
        %dma_wait3A_160 = tpu.memref_slice %arg7[%dma_wait3A_158, %dma_wait3A_159] : memref<200x128xf32, #tpu.memory_space<vmem>> -> memref<128x128xf32, #tpu.memory_space<vmem>>
        %dma_wait3A_161 = arith.constant 0 : i32
        %dma_wait3A_162 = tpu.memref_slice %arg5[%add3A_157, %dma_wait3A_161] : memref<256x128xi32, #tpu.memory_space<vmem>> -> memref<1x128xi32, #tpu.memory_space<vmem>>
        %dma_wait3A_163 = tpu.memref_squeeze %dma_wait3A_162 : memref<1x128xi32, #tpu.memory_space<vmem>> -> memref<128xi32, #tpu.memory_space<vmem>>
        %dma_wait3A_164 = arith.constant 0 : i32
        %dma_wait3A_165 = arith.constant 0 : i32
        %dma_wait3A_166 = tpu.memref_slice %arg2[%dma_wait3A_164, %dma_wait3A_165] : memref<100000x128xf32, #tpu.memory_space<hbm>> -> memref<100000x128xf32, #tpu.memory_space<hbm>>
        tpu.wait_indirect_dma semaphore(%arg10 : memref<!tpu.dma_semaphore, #tpu.memory_space<semaphore_mem>>) src(%dma_wait3A_166 : memref<100000x128xf32, #tpu.memory_space<hbm>>) dst(%dma_wait3A_160 : memref<128x128xf32, #tpu.memory_space<vmem>>)
        %mul3A_167 = arith.constant 2 : i32
        %mul3A_168 = arith.muli %mul3A_167, %add3A_105 : i32
        %add3A_169 = arith.constant 1 : i32
        %add3A_170 = arith.addi %mul3A_168, %add3A_169 : i32
        %dma_wait3A_171 = arith.constant 128 : i32
        %dma_wait3A_172 = arith.constant 0 : i32
        %dma_wait3A_173 = tpu.memref_slice %arg7[%dma_wait3A_171, %dma_wait3A_172] : memref<200x128xf32, #tpu.memory_space<vmem>> -> memref<72x128xf32, #tpu.memory_space<vmem>>
        %dma_wait3A_174 = arith.constant 0 : i32
        %dma_wait3A_175 = tpu.memref_slice %arg5[%add3A_170, %dma_wait3A_174] : memref<256x128xi32, #tpu.memory_space<vmem>> -> memref<1x72xi32, #tpu.memory_space<vmem>>
        %dma_wait3A_176 = tpu.memref_squeeze %dma_wait3A_175 : memref<1x72xi32, #tpu.memory_space<vmem>> -> memref<72xi32, #tpu.memory_space<vmem>>
        %dma_wait3A_177 = arith.constant 0 : i32
        %dma_wait3A_178 = arith.constant 0 : i32
        %dma_wait3A_179 = tpu.memref_slice %arg2[%dma_wait3A_177, %dma_wait3A_178] : memref<100000x128xf32, #tpu.memory_space<hbm>> -> memref<100000x128xf32, #tpu.memory_space<hbm>>
        tpu.wait_indirect_dma semaphore(%arg10 : memref<!tpu.dma_semaphore, #tpu.memory_space<semaphore_mem>>) src(%dma_wait3A_179 : memref<100000x128xf32, #tpu.memory_space<hbm>>) dst(%dma_wait3A_173 : memref<72x128xf32, #tpu.memory_space<vmem>>)
        %add3A_180 = arith.addi %mul3A_2, %add3A_105 : i32
        %dma_start3A_181 = arith.constant 0 : i32
        %dma_start3A_182 = arith.constant 0 : i32
        %dma_start3A_183 = tpu.memref_slice %arg4[%add3A_180, %dma_start3A_181, %dma_start3A_182] : memref<4096x200x128xf32, #tpu.memory_space<hbm>> -> memref<1x200x128xf32, #tpu.memory_space<hbm>>
        %dma_start3A_184 = tpu.memref_squeeze %dma_start3A_183 : memref<1x200x128xf32, #tpu.memory_space<hbm>> -> memref<200x128xf32, #tpu.memory_space<hbm>>
        %dma_start3A_185 = arith.constant 0 : i32
        %dma_start3A_186 = arith.constant 0 : i32
        %dma_start3A_187 = tpu.memref_slice %arg4[%add3A_180, %dma_start3A_185, %dma_start3A_186] : memref<4096x200x128xf32, #tpu.memory_space<hbm>> -> memref<1x200x128xf32, #tpu.memory_space<hbm>>
        %dma_start3A_188 = tpu.memref_squeeze %dma_start3A_187 : memref<1x200x128xf32, #tpu.memory_space<hbm>> -> memref<200x128xf32, #tpu.memory_space<hbm>>
        tpu.enqueue_dma source(%arg7 : memref<200x128xf32, #tpu.memory_space<vmem>>) target(%dma_start3A_188 : memref<200x128xf32, #tpu.memory_space<hbm>>) target_semaphore(%arg13 : memref<!tpu.dma_semaphore, #tpu.memory_space<semaphore_mem>>)
      } else {
      }
      %mul3A_128 = arith.constant 3 : i32
      %mul3A_129 = arith.muli %mul3A_128, %scan3A_80 : i32
      %add3A_130 = arith.constant 2 : i32
      %add3A_131 = arith.addi %mul3A_129, %add3A_130 : i32
      %ge3A_132 = arith.constant 1 : i32
      %ge3A_133 = arith.cmpi sge, %add3A_131, %ge3A_132 : i32
      %add3A_134 = arith.constant 2 : i32
      %add3A_135 = arith.addi %add3A_131, %add3A_134 : i32
      %lt3A_136 = arith.constant 128 : i32
      %lt3A_137 = arith.cmpi slt, %add3A_135, %lt3A_136 : i32
      %and3A_138 = arith.andi %ge3A_133, %lt3A_137 : i1
      %convert_element_type3A_139 = arith.extui %and3A_138 : i1 to i32
      %cond3A_140 = arith.constant 0 : i32
      %cond3A_141 = arith.cmpi ne, %convert_element_type3A_139, %cond3A_140 : i32
      scf.if %cond3A_141 {
        %sub3A = arith.constant 1 : i32
        %sub3A_154 = arith.subi %add3A_131, %sub3A : i32
        %add3A_155 = arith.addi %mul3A_2, %sub3A_154 : i32
        %dma_wait3A_156 = arith.constant 0 : i32
        %dma_wait3A_157 = arith.constant 0 : i32
        %dma_wait3A_158 = tpu.memref_slice %arg4[%add3A_155, %dma_wait3A_156, %dma_wait3A_157] : memref<4096x200x128xf32, #tpu.memory_space<hbm>> -> memref<1x200x128xf32, #tpu.memory_space<hbm>>
        %dma_wait3A_159 = tpu.memref_squeeze %dma_wait3A_158 : memref<1x200x128xf32, #tpu.memory_space<hbm>> -> memref<200x128xf32, #tpu.memory_space<hbm>>
        %dma_wait3A_160 = arith.constant 0 : i32
        %dma_wait3A_161 = arith.constant 0 : i32
        %dma_wait3A_162 = tpu.memref_slice %arg4[%add3A_155, %dma_wait3A_160, %dma_wait3A_161] : memref<4096x200x128xf32, #tpu.memory_space<hbm>> -> memref<1x200x128xf32, #tpu.memory_space<hbm>>
        %dma_wait3A_163 = tpu.memref_squeeze %dma_wait3A_162 : memref<1x200x128xf32, #tpu.memory_space<hbm>> -> memref<200x128xf32, #tpu.memory_space<hbm>>
        tpu.wait_dma2 semaphore(%arg13 : memref<!tpu.dma_semaphore, #tpu.memory_space<semaphore_mem>>) src(%arg7 : memref<200x128xf32, #tpu.memory_space<vmem>>) dst(%dma_wait3A_163 : memref<200x128xf32, #tpu.memory_space<hbm>>)
      } else {
      }
      %add3A_142 = arith.constant 2 : i32
      %add3A_143 = arith.addi %add3A_131, %add3A_142 : i32
      %lt3A_144 = arith.constant 128 : i32
      %lt3A_145 = arith.cmpi slt, %add3A_143, %lt3A_144 : i32
      %convert_element_type3A_146 = arith.extui %lt3A_145 : i1 to i32
      %cond3A_147 = arith.constant 0 : i32
      %cond3A_148 = arith.cmpi ne, %convert_element_type3A_146, %cond3A_147 : i32
      scf.if %cond3A_148 {
        %add3A_154 = arith.constant 2 : i32
        %add3A_155 = arith.addi %add3A_131, %add3A_154 : i32
        %mul3A_156 = arith.constant 2 : i32
        %mul3A_157 = arith.muli %mul3A_156, %add3A_155 : i32
        %add3A_158 = arith.constant 0 : i32
        %add3A_159 = arith.addi %mul3A_157, %add3A_158 : i32
        %dma_start3A_160 = arith.constant 0 : i32
        %dma_start3A_161 = arith.constant 0 : i32
        %dma_start3A_162 = tpu.memref_slice %arg7[%dma_start3A_160, %dma_start3A_161] : memref<200x128xf32, #tpu.memory_space<vmem>> -> memref<128x128xf32, #tpu.memory_space<vmem>>
        %dma_start3A_163 = arith.constant 0 : i32
        %dma_start3A_164 = tpu.memref_slice %arg5[%add3A_159, %dma_start3A_163] : memref<256x128xi32, #tpu.memory_space<vmem>> -> memref<1x128xi32, #tpu.memory_space<vmem>>
        %dma_start3A_165 = tpu.memref_squeeze %dma_start3A_164 : memref<1x128xi32, #tpu.memory_space<vmem>> -> memref<128xi32, #tpu.memory_space<vmem>>
        %dma_start3A_166 = arith.constant 0 : i32
        %dma_start3A_167 = arith.constant 0 : i32
        %dma_start3A_168 = tpu.memref_slice %arg2[%dma_start3A_166, %dma_start3A_167] : memref<100000x128xf32, #tpu.memory_space<hbm>> -> memref<100000x128xf32, #tpu.memory_space<hbm>>
        tpu.enqueue_indirect_dma source(%dma_start3A_168 : memref<100000x128xf32, #tpu.memory_space<hbm>>) target(%dma_start3A_162 : memref<128x128xf32, #tpu.memory_space<vmem>>) offsets(%dma_start3A_165 : memref<128xi32, #tpu.memory_space<vmem>>) semaphore(%arg10 : memref<!tpu.dma_semaphore, #tpu.memory_space<semaphore_mem>>)
        %mul3A_169 = arith.constant 2 : i32
        %mul3A_170 = arith.muli %mul3A_169, %add3A_155 : i32
        %add3A_171 = arith.constant 1 : i32
        %add3A_172 = arith.addi %mul3A_170, %add3A_171 : i32
        %dma_start3A_173 = arith.constant 128 : i32
        %dma_start3A_174 = arith.constant 0 : i32
        %dma_start3A_175 = tpu.memref_slice %arg7[%dma_start3A_173, %dma_start3A_174] : memref<200x128xf32, #tpu.memory_space<vmem>> -> memref<72x128xf32, #tpu.memory_space<vmem>>
        %dma_start3A_176 = arith.constant 0 : i32
        %dma_start3A_177 = tpu.memref_slice %arg5[%add3A_172, %dma_start3A_176] : memref<256x128xi32, #tpu.memory_space<vmem>> -> memref<1x72xi32, #tpu.memory_space<vmem>>
        %dma_start3A_178 = tpu.memref_squeeze %dma_start3A_177 : memref<1x72xi32, #tpu.memory_space<vmem>> -> memref<72xi32, #tpu.memory_space<vmem>>
        %dma_start3A_179 = arith.constant 0 : i32
        %dma_start3A_180 = arith.constant 0 : i32
        %dma_start3A_181 = tpu.memref_slice %arg2[%dma_start3A_179, %dma_start3A_180] : memref<100000x128xf32, #tpu.memory_space<hbm>> -> memref<100000x128xf32, #tpu.memory_space<hbm>>
        tpu.enqueue_indirect_dma source(%dma_start3A_181 : memref<100000x128xf32, #tpu.memory_space<hbm>>) target(%dma_start3A_175 : memref<72x128xf32, #tpu.memory_space<vmem>>) offsets(%dma_start3A_178 : memref<72xi32, #tpu.memory_space<vmem>>) semaphore(%arg10 : memref<!tpu.dma_semaphore, #tpu.memory_space<semaphore_mem>>)
      } else {
      }
      %lt3A_149 = arith.constant 128 : i32
      %lt3A_150 = arith.cmpi slt, %add3A_131, %lt3A_149 : i32
      %convert_element_type3A_151 = arith.extui %lt3A_150 : i1 to i32
      %cond3A_152 = arith.constant 0 : i32
      %cond3A_153 = arith.cmpi ne, %convert_element_type3A_151, %cond3A_152 : i32
      scf.if %cond3A_153 {
        %mul3A_154 = arith.constant 2 : i32
        %mul3A_155 = arith.muli %mul3A_154, %add3A_131 : i32
        %add3A_156 = arith.constant 0 : i32
        %add3A_157 = arith.addi %mul3A_155, %add3A_156 : i32
        %dma_wait3A_158 = arith.constant 0 : i32
        %dma_wait3A_159 = arith.constant 0 : i32
        %dma_wait3A_160 = tpu.memref_slice %arg8[%dma_wait3A_158, %dma_wait3A_159] : memref<200x128xf32, #tpu.memory_space<vmem>> -> memref<128x128xf32, #tpu.memory_space<vmem>>
        %dma_wait3A_161 = arith.constant 0 : i32
        %dma_wait3A_162 = tpu.memref_slice %arg5[%add3A_157, %dma_wait3A_161] : memref<256x128xi32, #tpu.memory_space<vmem>> -> memref<1x128xi32, #tpu.memory_space<vmem>>
        %dma_wait3A_163 = tpu.memref_squeeze %dma_wait3A_162 : memref<1x128xi32, #tpu.memory_space<vmem>> -> memref<128xi32, #tpu.memory_space<vmem>>
        %dma_wait3A_164 = arith.constant 0 : i32
        %dma_wait3A_165 = arith.constant 0 : i32
        %dma_wait3A_166 = tpu.memref_slice %arg2[%dma_wait3A_164, %dma_wait3A_165] : memref<100000x128xf32, #tpu.memory_space<hbm>> -> memref<100000x128xf32, #tpu.memory_space<hbm>>
        tpu.wait_indirect_dma semaphore(%arg11 : memref<!tpu.dma_semaphore, #tpu.memory_space<semaphore_mem>>) src(%dma_wait3A_166 : memref<100000x128xf32, #tpu.memory_space<hbm>>) dst(%dma_wait3A_160 : memref<128x128xf32, #tpu.memory_space<vmem>>)
        %mul3A_167 = arith.constant 2 : i32
        %mul3A_168 = arith.muli %mul3A_167, %add3A_131 : i32
        %add3A_169 = arith.constant 1 : i32
        %add3A_170 = arith.addi %mul3A_168, %add3A_169 : i32
        %dma_wait3A_171 = arith.constant 128 : i32
        %dma_wait3A_172 = arith.constant 0 : i32
        %dma_wait3A_173 = tpu.memref_slice %arg8[%dma_wait3A_171, %dma_wait3A_172] : memref<200x128xf32, #tpu.memory_space<vmem>> -> memref<72x128xf32, #tpu.memory_space<vmem>>
        %dma_wait3A_174 = arith.constant 0 : i32
        %dma_wait3A_175 = tpu.memref_slice %arg5[%add3A_170, %dma_wait3A_174] : memref<256x128xi32, #tpu.memory_space<vmem>> -> memref<1x72xi32, #tpu.memory_space<vmem>>
        %dma_wait3A_176 = tpu.memref_squeeze %dma_wait3A_175 : memref<1x72xi32, #tpu.memory_space<vmem>> -> memref<72xi32, #tpu.memory_space<vmem>>
        %dma_wait3A_177 = arith.constant 0 : i32
        %dma_wait3A_178 = arith.constant 0 : i32
        %dma_wait3A_179 = tpu.memref_slice %arg2[%dma_wait3A_177, %dma_wait3A_178] : memref<100000x128xf32, #tpu.memory_space<hbm>> -> memref<100000x128xf32, #tpu.memory_space<hbm>>
        tpu.wait_indirect_dma semaphore(%arg11 : memref<!tpu.dma_semaphore, #tpu.memory_space<semaphore_mem>>) src(%dma_wait3A_179 : memref<100000x128xf32, #tpu.memory_space<hbm>>) dst(%dma_wait3A_173 : memref<72x128xf32, #tpu.memory_space<vmem>>)
        %add3A_180 = arith.addi %mul3A_2, %add3A_131 : i32
        %dma_start3A_181 = arith.constant 0 : i32
        %dma_start3A_182 = arith.constant 0 : i32
        %dma_start3A_183 = tpu.memref_slice %arg4[%add3A_180, %dma_start3A_181, %dma_start3A_182] : memref<4096x200x128xf32, #tpu.memory_space<hbm>> -> memref<1x200x128xf32, #tpu.memory_space<hbm>>
        %dma_start3A_184 = tpu.memref_squeeze %dma_start3A_183 : memref<1x200x128xf32, #tpu.memory_space<hbm>> -> memref<200x128xf32, #tpu.memory_space<hbm>>
        %dma_start3A_185 = arith.constant 0 : i32
        %dma_start3A_186 = arith.constant 0 : i32
        %dma_start3A_187 = tpu.memref_slice %arg4[%add3A_180, %dma_start3A_185, %dma_start3A_186] : memref<4096x200x128xf32, #tpu.memory_space<hbm>> -> memref<1x200x128xf32, #tpu.memory_space<hbm>>
        %dma_start3A_188 = tpu.memref_squeeze %dma_start3A_187 : memref<1x200x128xf32, #tpu.memory_space<hbm>> -> memref<200x128xf32, #tpu.memory_space<hbm>>
        tpu.enqueue_dma source(%arg8 : memref<200x128xf32, #tpu.memory_space<vmem>>) target(%dma_start3A_188 : memref<200x128xf32, #tpu.memory_space<hbm>>) target_semaphore(%arg14 : memref<!tpu.dma_semaphore, #tpu.memory_space<semaphore_mem>>)
      } else {
      }
    }
    %scan3A_50 = arith.constant 43 : i32
    %add3A_51 = arith.constant 125 : i32
    %add3A_52 = arith.addi %mul3A_2, %add3A_51 : i32
    %dma_wait3A = arith.constant 0 : i32
    %dma_wait3A_53 = arith.constant 0 : i32
    %dma_wait3A_54 = tpu.memref_slice %arg4[%add3A_52, %dma_wait3A, %dma_wait3A_53] : memref<4096x200x128xf32, #tpu.memory_space<hbm>> -> memref<1x200x128xf32, #tpu.memory_space<hbm>>
    %dma_wait3A_55 = tpu.memref_squeeze %dma_wait3A_54 : memref<1x200x128xf32, #tpu.memory_space<hbm>> -> memref<200x128xf32, #tpu.memory_space<hbm>>
    %dma_wait3A_56 = arith.constant 0 : i32
    %dma_wait3A_57 = arith.constant 0 : i32
    %dma_wait3A_58 = tpu.memref_slice %arg4[%add3A_52, %dma_wait3A_56, %dma_wait3A_57] : memref<4096x200x128xf32, #tpu.memory_space<hbm>> -> memref<1x200x128xf32, #tpu.memory_space<hbm>>
    %dma_wait3A_59 = tpu.memref_squeeze %dma_wait3A_58 : memref<1x200x128xf32, #tpu.memory_space<hbm>> -> memref<200x128xf32, #tpu.memory_space<hbm>>
    tpu.wait_dma2 semaphore(%arg14 : memref<!tpu.dma_semaphore, #tpu.memory_space<semaphore_mem>>) src(%arg8 : memref<200x128xf32, #tpu.memory_space<vmem>>) dst(%dma_wait3A_59 : memref<200x128xf32, #tpu.memory_space<hbm>>)
    %add3A_60 = arith.constant 126 : i32
    %add3A_61 = arith.addi %mul3A_2, %add3A_60 : i32
    %dma_wait3A_62 = arith.constant 0 : i32
    %dma_wait3A_63 = arith.constant 0 : i32
    %dma_wait3A_64 = tpu.memref_slice %arg4[%add3A_61, %dma_wait3A_62, %dma_wait3A_63] : memref<4096x200x128xf32, #tpu.memory_space<hbm>> -> memref<1x200x128xf32, #tpu.memory_space<hbm>>
    %dma_wait3A_65 = tpu.memref_squeeze %dma_wait3A_64 : memref<1x200x128xf32, #tpu.memory_space<hbm>> -> memref<200x128xf32, #tpu.memory_space<hbm>>
    %dma_wait3A_66 = arith.constant 0 : i32
    %dma_wait3A_67 = arith.constant 0 : i32
    %dma_wait3A_68 = tpu.memref_slice %arg4[%add3A_61, %dma_wait3A_66, %dma_wait3A_67] : memref<4096x200x128xf32, #tpu.memory_space<hbm>> -> memref<1x200x128xf32, #tpu.memory_space<hbm>>
    %dma_wait3A_69 = tpu.memref_squeeze %dma_wait3A_68 : memref<1x200x128xf32, #tpu.memory_space<hbm>> -> memref<200x128xf32, #tpu.memory_space<hbm>>
    tpu.wait_dma2 semaphore(%arg12 : memref<!tpu.dma_semaphore, #tpu.memory_space<semaphore_mem>>) src(%arg6 : memref<200x128xf32, #tpu.memory_space<vmem>>) dst(%dma_wait3A_69 : memref<200x128xf32, #tpu.memory_space<hbm>>)
    %add3A_70 = arith.constant 127 : i32
    %add3A_71 = arith.addi %mul3A_2, %add3A_70 : i32
    %dma_wait3A_72 = arith.constant 0 : i32
    %dma_wait3A_73 = arith.constant 0 : i32
    %dma_wait3A_74 = tpu.memref_slice %arg4[%add3A_71, %dma_wait3A_72, %dma_wait3A_73] : memref<4096x200x128xf32, #tpu.memory_space<hbm>> -> memref<1x200x128xf32, #tpu.memory_space<hbm>>
    %dma_wait3A_75 = tpu.memref_squeeze %dma_wait3A_74 : memref<1x200x128xf32, #tpu.memory_space<hbm>> -> memref<200x128xf32, #tpu.memory_space<hbm>>
    %dma_wait3A_76 = arith.constant 0 : i32
    %dma_wait3A_77 = arith.constant 0 : i32
    %dma_wait3A_78 = tpu.memref_slice %arg4[%add3A_71, %dma_wait3A_76, %dma_wait3A_77] : memref<4096x200x128xf32, #tpu.memory_space<hbm>> -> memref<1x200x128xf32, #tpu.memory_space<hbm>>
    %dma_wait3A_79 = tpu.memref_squeeze %dma_wait3A_78 : memref<1x200x128xf32, #tpu.memory_space<hbm>> -> memref<200x128xf32, #tpu.memory_space<hbm>>
    tpu.wait_dma2 semaphore(%arg13 : memref<!tpu.dma_semaphore, #tpu.memory_space<semaphore_mem>>) src(%arg7 : memref<200x128xf32, #tpu.memory_space<vmem>>) dst(%dma_wait3A_79 : memref<200x128xf32, #tpu.memory_space<hbm>>)
    return
  }
}

module attributes {stable_mosaic.version = 14 : i64} {
  func.func @_pe_add_body(%arg0: i32, %arg1: memref<10000x64xf32, #tpu.memory_space<vmem>>, %arg2: memref<8x64xf32, #tpu.memory_space<vmem>>, %arg3: memref<10000x128xf32, #tpu.memory_space<vmem>>) attributes {dimension_semantics = [#tpu.dimension_semantics<arbitrary>], iteration_bounds = array<i64: 10>, scalar_prefetch = 0 : i64, scratch_operands = 0 : i64, tpu.core_type = #tpu.core_type<tc>, window_params = [{transform_indices = @transform_0, window_bounds = array<i64: 10000, 64>}, {pipeline_mode = #tpu.pipeline_mode<synchronous>, transform_indices = @transform_1, window_bounds = array<i64: 8, 64>}, {transform_indices = @transform_2, window_bounds = array<i64: 10000, 128>}]} {
    %get3A = arith.constant 0 : index
    %get3A_0 = arith.constant 0 : index
    %get3A_1 = vector.load %arg1[%get3A, %get3A_0] : memref<10000x64xf32, #tpu.memory_space<vmem>>, vector<10000x64xf32>
    %get3A_2 = arith.constant 0 : index
    %get3A_3 = arith.constant 0 : index
    %get3A_4 = vector.load %arg2[%get3A_2, %get3A_3] : memref<8x64xf32, #tpu.memory_space<vmem>>, vector<1x64xf32>
    %add3A = vector.broadcast %get3A_4 : vector<1x64xf32> to vector<10000x64xf32>
    %add3A_5 = arith.addf %get3A_1, %add3A : vector<10000x64xf32>
    %swap3A = arith.constant 0 : index
    %swap3A_6 = arith.constant 0 : index
    %swap3A_7 = vector.load %arg3[%swap3A, %swap3A_6] : memref<10000x128xf32, #tpu.memory_space<vmem>>, vector<10000x64xf32>
    tpu.vector_store %arg3[%swap3A, %swap3A_6], %add3A_5 {strides = array<i32>} : memref<10000x128xf32, #tpu.memory_space<vmem>>, vector<10000x64xf32>,
    return
  }
  func.func @transform_0(%arg0: i32) -> (i32, i32) {
    %c0_i32 = arith.constant 0 : i32
    %c0_i32_0 = arith.constant 0 : i32
    return %arg0, %c0_i32 : i32, i32
  }
  func.func @transform_1(%arg0: i32) -> (i32, i32) {
    %c0_i32 = arith.constant 0 : i32
    %c0_i32_0 = arith.constant 0 : i32
    %c0_i32_1 = arith.constant 0 : i32
    return %c0_i32, %c0_i32_0 : i32, i32
  }
  func.func @transform_2(%arg0: i32) -> (i32, i32) {
    %c0_i32 = arith.constant 0 : i32
    %c0_i32_0 = arith.constant 0 : i32
    return %arg0, %c0_i32 : i32, i32
  }
}

</mosaic_0001>

<sc_bundles>
// kernel: kernel.4.cloned.1.call-start
scs
__scs_entry_jumppad:
0x0: {  	(pc) =	sbr.rel $0x88, $3  }
0x1: {  	(tag) =	ssettag $0x0;
	lr =	simm.s32 $0x1  }
0x2: {  	[smem:$0x3F9F] =	sst lr;
	_ =	strace $0xD0000000  }
0x3: {  	_ = 	snop  }
0x4: {  	_ = 	snop  }
0x5: {  	_ = 	snop  }
0x6: {  	_ = 	snop  }
0x7: {  	_ = 	snop  }
__scs_overlays_trampoline_lowered:
0x8: {  	[smem:$0x3FAE] =	sst s0  }
0x9: {  	[smem:$0x3FAF] =	sst s1  }
0xa: {  	[smem:$0x3FB0] =	sst s2  }
0xb: {  	[smem:$0x3FB1] =	sst s3  }
0xc: {  	[smem:$0x3FB2] =	sst s4  }
0xd: {  	[smem:$0x3FB3] =	sst s5  }
0xe: {  	[smem:$0x3FB4] =	sst s6  }
0xf: {  	[smem:$0x3FB5] =	sst s7  }
0x10: {  	[smem:$0x3FB6] =	sst s8  }
0x11: {  	[smem:$0x3FB7] =	sst s9;
	s0 =	simm.s32 @!p0 $0x0  }
0x12: {  	s1 =	sld [smem:$0x3F9D];
	s0 =	simm.s32 @p0 $0x1  }
0x13: {  	[smem:$0x3FB8] =	sst s0;
	s0 =	simm.s32 @!p1 $0x0  }
0x14: {  	s2 =	sld [smem:$0x3F9C];
	s0 =	simm.s32 @p1 $0x1  }
0x15: {  	[smem:$0x3FB9] =	sst s0;
	s0 =	simm.s32 @!p2 $0x0  }
0x16: {  	s3 =	sld [smem:$0x3FDB];
	s0 =	simm.s32 @p2 $0x1  }
0x17: {  	s4 =	simm.s32 $0x1BF5;
	[smem:$0x3FBB] =	sst s0  }
0x18: {  	s0 =	sld [smem:$0x3F9E];
	_ =	swait.ge [sflag:s4], $0x0  }
0x19: {  	s7 =	sld [smem:$0x3F9F]  }
0x1a: {  	s8 =	sadd.s32 $0xFFFFE003, lr  }
0x1b: {  	s9 =	sadd.s32 $0xFFFFFEF7, lr;
	s5 =	simm.s32 $0xFFFFFFFF;
	p2 =	slt.u32 s8, $0xFFFFF086  }
0x1c: {  	p1 =	slt.u32 s9, $0xF7A;
	s5 =	simm.s32 @!p2 $0x0  }
0x1d: {  	s5 =	simm.s32 @p1 $0x1;
	p0 =	seq.s32 s7, s2  }
0x1e: {  	s7 =	smul.u32 @!p0 $0xF7A, s2;
	p2 =	seq.s32 @!p0 s5, $0x0  }
0x1f: {  	s9 =	smul.u32 $0xF7A, s1;
	s8 =	simm.s32 @!p0 $0x1BF5;
	p2 =	por !p2, p0  }
0x20: {  	[sflag:s8] =	ssyncset.s32 @!p0 $0xFFFFF086;
	s6 =	sadd.s32 @!p0 s3, s7;
	s7 =	simm.s32 @!p0 $0x108  }
0x21: {  	s3 =	sadd.s32 s3, s9;
	s6 =	sadd.s32 @!p0 $0x88, s6;
	s7 =	simm.s32 @p2 $0x1082  }
0x22: {  	[simem:s7], [sflag:s8] =	dma.local @!p0 [hbm:s6], $0xF7A  }
0x23: {  	s9 =	sor.u32 $0xD0000000, s2;
	s6 =	simm.s32 $0x108;
	_ =	swait.ge @!p0 [sflag:s8], $0x0  }
0x24: {  	s3 =	sadd.s32 $0x88, s3;
	s6 =	simm.s32 @!p1 $0x1082;
	[sflag:s4] =	ssyncset.s32 $0xFFFFF086  }
0x25: {  	[simem:s6], [sflag:s4] =	dma.local [hbm:s3], $0xF7A  }
0x26: {  	[smem:$0x3F9F] =	sst s1;
	(tag) =	ssettag s2;
	_ =	strace s9  }
0x27: {  	s1 =	sld [smem:$0x3FAF]  }
0x28: {  	s2 =	sld [smem:$0x3FB0]  }
0x29: {  	s4 =	sld [smem:$0x3FB2]  }
0x2a: {  	p0 =	seq.s32 s5, $0x0;
	s5 =	sld [smem:$0x3FB3]  }
0x2b: {  	s6 =	sld [smem:$0x3FB4]  }
0x2c: {  	s7 =	sld [smem:$0x3FB5]  }
0x2d: {  	s3 =	simm.s32 $0x108;
	s8 =	sld [smem:$0x3FB6]  }
0x2e: {  	s3 =	simm.s32 @!p0 $0x1082;
	s9 =	sld [smem:$0x3FB7]  }
0x2f: {  	lr =	sadd.s32 s0, s3;
	s0 =	sld [smem:$0x3FAE]  }
0x30: {  	s3 =	sld [smem:$0x3FB1]  }
0x31: {  	[smem:$0x3FBA] =	sst s10  }
0x32: {  	s10 =	sld [smem:$0x3FB8];
	_ =	sdelay $0x3  }
0x33: {  	p0 =	seq.s32 s10, $0x1;
	s10 =	sld [smem:$0x3FBA];
	_ =	sdelay $0x3  }
0x34: {  	[smem:$0x3FBA] =	sst s10  }
0x35: {  	s10 =	sld [smem:$0x3FB9];
	_ =	sdelay $0x3  }
0x36: {  	p1 =	seq.s32 s10, $0x1;
	s10 =	sld [smem:$0x3FBA];
	_ =	sdelay $0x3  }
0x37: {  	[smem:$0x3FBA] =	sst s10  }
0x38: {  	s10 =	sld [smem:$0x3FBB]  }
0x39: {  	_ = 	snop;
	(pc) =	sbr.ind lr, $3  }
0x3a: {  	_ = 	snop  }
0x3b: {  	_ = 	snop  }
0x3c: {  	p2 =	seq.s32 s10, $0x1;
	s10 =	sld [smem:$0x3FBA]  }
0x3d: {  	_ =	shalt  }
0x3e: {  	_ =	shalt  }
0x3f: {  	_ =	shalt  }
0x40: {  	_ =	shalt  }
0x41: {  	_ =	shalt  }
0x42: {  	_ =	shalt  }
0x43: {  	_ =	shalt  }
0x44: {  	_ =	shalt  }
0x45: {  	_ =	shalt  }
0x46: {  	_ =	shalt  }
0x47: {  	_ =	shalt  }
0x48: {  	_ =	shalt  }
0x49: {  	_ =	shalt  }
0x4a: {  	_ =	shalt  }
0x4b: {  	_ =	shalt  }
0x4c: {  	_ =	shalt  }
0x4d: {  	_ =	shalt  }
0x4e: {  	_ =	shalt  }
0x4f: {  	_ =	shalt  }
0x50: {  	_ =	shalt  }
0x51: {  	_ =	shalt  }
0x52: {  	_ =	shalt  }
0x53: {  	_ =	shalt  }
0x54: {  	_ =	shalt  }
0x55: {  	_ =	shalt  }
0x56: {  	_ =	shalt  }
0x57: {  	_ =	shalt  }
0x58: {  	_ =	shalt  }
0x59: {  	_ =	shalt  }
0x5a: {  	_ =	shalt  }
0x5b: {  	_ =	shalt  }
0x5c: {  	_ =	shalt  }
0x5d: {  	_ =	shalt  }
0x5e: {  	_ =	shalt  }
0x5f: {  	_ =	shalt  }
0x60: {  	_ =	shalt  }
0x61: {  	_ =	shalt  }
0x62: {  	_ =	shalt  }
0x63: {  	_ =	shalt  }
0x64: {  	_ =	shalt  }
0x65: {  	_ =	shalt  }
0x66: {  	_ =	shalt  }
0x67: {  	_ =	shalt  }
0x68: {  	_ =	shalt  }
0x69: {  	_ =	shalt  }
0x6a: {  	_ =	shalt  }
0x6b: {  	_ =	shalt  }
0x6c: {  	_ =	shalt  }
0x6d: {  	_ =	shalt  }
0x6e: {  	_ =	shalt  }
0x6f: {  	_ =	shalt  }
0x70: {  	_ =	shalt  }
0x71: {  	_ =	shalt  }
0x72: {  	_ =	shalt  }
0x73: {  	_ =	shalt  }
0x74: {  	_ =	shalt  }
0x75: {  	_ =	shalt  }
0x76: {  	_ =	shalt  }
0x77: {  	_ =	shalt  }
0x78: {  	_ =	shalt  }
0x79: {  	_ =	shalt  }
0x7a: {  	_ =	shalt  }
0x7b: {  	_ =	shalt  }
0x7c: {  	_ =	shalt  }
0x7d: {  	_ =	shalt  }
0x7e: {  	_ =	shalt  }
0x7f: {  	_ =	shalt  }
0x80: {  	_ =	shalt  }
0x81: {  	_ =	shalt  }
0x82: {  	_ =	shalt  }
0x83: {  	_ =	shalt  }
0x84: {  	_ =	shalt  }
0x85: {  	_ =	shalt  }
0x86: {  	_ =	shalt  }
0x87: {  	_ =	shalt  }
.Lfunc_end0:
.L_simem_size_0:
called_computation.1_lowered:
.L_overlay_start_0:
0x88: {  	s2 =	sld [smem:$0x3FD9]  }
0x89: {  	s3 =	sld [smem:$0x3FFE];
	_ =	sdelay $0x1  }
0x8a: {  	s1 =	srdreg.scid  }
0x8b: {  	s0 =	sand.u32 $0x1, s1  }
0x8c: {  	s16 =	sshll.u32 s0, $0xA;
	s2 =	sadd.s32 s3, s2  }
0x8d: {  	s2 =	sadd.s32 s2, s16  }
0x8e: {  	[smem:$0x3FC6] =	sst s2  }
0x8f: {  	_ = 	snop  }
0x90: {  	(tm) =	ssettm $0x1  }
0x91: {  	s17 =	sld [smem:$0x3FFB];
	_ =	sdelay $0x3  }
0x92: {  	_ =	strace s17  }
0x93: {  	s2 =	sld [smem:$0x3FFC];
	_ =	sdelay $0x3  }
0x94: {  	_ =	strace s2  }
0x95: {  	s2 =	sld [smem:$0x3FFD];
	_ =	sdelay $0x3  }
0x96: {  	_ =	strace s2  }
0x97: {  	_ =	strace $0x8FFFFFFF  }
0x98: {  	s18 =	sld [smem:$0x3FDB];
	_ =	sdelay $0x1  }
0x99: {  	s19 =	simm.s32 $_scs_section_size  }
0x9a: {  	s4 =	simm.s32 $_size__tile_overlayer_lowered;
	s5 =	simm.s32 $_tile_overlayer_lowered  }
0x9b: {  	s22 =	simm.s32 $0x1BFF;
	s21 =	sshll.u32 s5, $0x1;
	s2 =	sadd.s32 s19, s18  }
0x9c: {  	s6 =	simm.s32 $0x0;
	s20 =	sshll.u32 s4, $0x1;
	s4 =	sadd.s32 s21, s2  }
0x9d: {  	[timem:s6], [sflag:s22] =	dma.local [hbm:s4], s20  }
0x9e: {  	_ =	swait.ge [sflag:s22], s20  }
0x9f: {  	s3 =	ssub.s32 $0x0, s20;
	[sflag:s22] =	ssyncset.done $0x0  }
0xa0: {  	[sflag:s22] =	ssyncadd.s32 s3;
	_ =	sdelay $0x1  }
0xa1: {  	s23 =	simm.s32 $0x1B8B  }
0xa2: {  	_ =	swait.ge [sflag:s23], $0x1  }
0xa3: {  	[sflag:s23] =	ssyncset.done $0x0  }
0xa4: {  	s25 =	simm.s32 $0x1B8E;
	s24 =	sld [smem:$0x3FFE];
	[sflag:s23] =	ssyncadd.s32 $0xFFFFFFFF  }
0xa5: {  	s26 =	simm.s32 $execute0_lowered;
	[smem:$0x3FD2] =	sst s25  }
0xa6: {  	s4 =	sshll.u32 s26, $0x1;
	_ =	strace $0x80000046;
	[dreg:$0x1] =	wrdreg $0xFFFFFFFF  }
0xa7: {  	s28 =	simm.s32 $_size_execute0_lowered;
	s2 =	sadd.s32 s2, s4;
	[dreg:$0x0] =	wrdreg $0x0  }
0xa8: {  	s4 =	sshll.u32 s28, $0x1;
	[dreg:$0x2] =	wrdreg s2  }
0xa9: {  	[dreg:$0x3] =	wrdreg s4  }
0xaa: {  	[dreg:$0x4] =	wrdreg $0xC0  }
0xab: {  	_ =	task [dreg:s6], $0x5FFFF  }
0xac: {  	[dreg:$0x1] =	wrdreg $0xFFFFFFFF  }
0xad: {  	[dreg:$0x0] =	wrdreg $0x60  }
0xae: {  	[dreg:$0x2] =	wrdreg s24  }
0xaf: {  	[dreg:$0x3] =	wrdreg $0x9  }
0xb0: {  	_ =	task.clear_ibuf [dreg:s6], $0x4FFFF;
	_ =	strace $0x90000046  }
0xb1: {  	s29 =	simm.s32 $0x9;
	_ =	strace $0x80000048  }
0xb2: {  	_ =	swait.ge [sflag:s29], $0x1  }
0xb3: {  	[sflag:s29] =	ssyncadd.s32 $0xFFFFFFFF  }
0xb4: {  	_ =	strace $0x90000048  }
0xb5: {  	_ =	sfence  }
0xb6: {  	s30 =	sld [smem:$0x0];
	_ =	sdelay $0x2  }
0xb7: {  	s31 =	sshll.u32 s1, $0xD;
	s1 =	sshrl.u32 s1, $0x2  }
0xb8: {  	s3 =	sand.u32 $0x4000, s31;
	s1 =	sadd.s32 s1, s30  }
0xb9: {  	s0 =	sor.u32 s3, s0;
	s1 =	sshll.u32 s1, $0x11  }
0xba: {  	s0 =	sor.u32 s1, s0  }
0xbb: {  	s0 =	sadd.s32 $0x8F2B, s0  }
0xbc: {  	[sflag:s0] =	ssyncadd.remote.s32 $0x1  }
0xbd: {  	_ =	sfence.sel $0xFFFF  }
0xbe: {  	[dreg:$0x0] =	wrdreg $0xFFFFFFFF;
	(pc) =	sbr.abs _section_cstart, $3  }
0xbf: {  	[dreg:$0x1] =	wrdreg $0xFFFFFFFF  }
0xc0: {  	_ =	task.clear_ibuf [dreg:s6], $0x2FFFF;
	_ =	strace $0x9FFFFFFF  }
0xc1: {  	(tm) =	ssettm $0x7FFFFFFF  }
tec
execute0_lowered:
.L_overlay_start_1:
0x0: {  	(tag) =	ssettag $0x1  }
0x1: {  	s4 =	rddreg [dreg:$0x0]  }
0x2: {  	s2 =	simm.s32 $0x0;
	s3 =	srdreg.scid;
	s1 =	stileid.u32  }
0x3: {  	s12 =	simm.s32 $0x48;
	s13 =	simm.s32 $0xC000;
	s14 =	simm.s32 $0x100  }
0x4: {  	s15 =	simm.s32 $0xE400;
	s16 =	simm.s32 $0x180;
	s17 =	simm.s32 $0x12400  }
0x5: {  	s18 =	simm.s32 $0x14800;
	s19 =	simm.s32 $0x18800;
	s20 =	simm.s32 $0x1  }
0x6: {  	s21 =	simm.s32 $0x4;
	s22 =	simm.s32 $0x2;
	s23 =	simm.s32 $0x5  }
0x7: {  	s24 =	simm.s32 $0x3;
	s25 =	simm.s32 $0x6;
	[smem:$0x7FF] =	sst s2  }
0x8: {  	s5 =	sand.u32 $0x1, s3;
	s3 =	sadd.s32 $0x20A00, s4;
	s9 =	smul.u32 $0xC8000, s1  }
0x9: {  	s26 =	sshll.u32 s1, $0x1;
	s10 =	sadd.s32 $0x1A7400, s4;
	_ =	strace $0x80000047  }
0xa: {  	s6 =	sor.u32 s5, s26;
	s8 =	ssub.s32 $0x2, s5;
	s11 =	smul.u32 $0x64000, s5  }
0xb: {  	s26 =	simm.s32 $0x0;
	s7 =	sshll.u32 s6, $0xC;
	s6 =	smul.u32 $0x64000, s6  }
.Ltmp0:
0xc: {  	s28 =	sshrl.u32 s8, $0x1;
	s30 =	sadd.s32 s9, s10;
	(pc) =	sbr.rel .LBB2_1-.Ltmp0, $4  }
0xd: {  	s7 =	sadd.s32 s7, s4;
	s29 =	ssub.s32 s8, s28;
	s9 =	sadd.s32 s11, s30  }
0xe: {  	s11 =	simm.s32 $0x8000;
	s4 =	sadd.s32 $0xA00, s7;
	s5 =	smax.u32 s29, $0x1  }
0xf: {  	s31 =	sadd.s32 s10, s6;
	s8 =	sadd.s32 $0xC80, s9;
	s9 =	simm.s32 $0x7  }
0x10: {  	s10 =	simm.s32 $0x80;
	s6 =	sadd.s32 $0x62700, s31;
	s7 =	sadd.s32 $0x63380, s31  }
.LBB2_7:
0x11: {  	_ =	swait.ge [sflag:s20], $0x4000  }
0x12: {  	[sflag:s20] =	ssyncset.done $0x0  }
0x13: {  	[sflag:s20] =	ssyncadd.s32 $0xFFFFC000  }
0x14: {  	_ =	swait.ge [sflag:s20], $0x2400  }
0x15: {  	[sflag:s20] =	ssyncset.done $0x0  }
0x16: {  	[sflag:s20] =	ssyncadd.s32 $0xFFFFDC00  }
0x17: {  	[hbm4b:s6+s2] =	stream.linear.scatter [tilespmem:s11], [sflag:$0x4], $0x6400, $0x38;
	[tilespmem:$0x1AC00] =	vst v63  }
0x18: {  	_ =	swait.ge [sflag:s22], $0x4000  }
0x19: {  	[sflag:s22] =	ssyncset.done $0x0  }
0x1a: {  	[sflag:s22] =	ssyncadd.s32 $0xFFFFC000  }
0x1b: {  	_ =	swait.ge [sflag:s22], $0x2400  }
0x1c: {  	[sflag:s22] =	ssyncset.done $0x0  }
0x1d: {  	[sflag:s22] =	ssyncadd.s32 $0xFFFFDC00  }
0x1e: {  	[hbm4b:s7+s2] =	stream.linear.scatter [tilespmem:s15], [sflag:$0x5], $0x6400, $0x38;
	[tilespmem:$0x1AC00] =	vst v63  }
0x1f: {  	_ =	swait.ge [sflag:s25], $0x6400  }
0x20: {  	[sflag:s25] =	ssyncset.done $0x0  }
0x21: {  	s26 =	sadd.s32 $0x1, s26;
	[sflag:s25] =	ssyncadd.s32 $0xFFFF9C00  }
0x22: {  	p0 =	sne.s32 s26, s5;
	_ =	swait.ge [sflag:s21], $0x6400  }
.Ltmp1:
0x23: {  	[sflag:s21] =	ssyncset.done $0x0;
	(pc) =	sbr.rel @!p0 .LBB2_8-.Ltmp1, $4  }
0x24: {  	[sflag:s21] =	ssyncadd.s32 $0xFFFF9C00  }
0x25: {  	_ =	swait.ge [sflag:s23], $0x6400  }
0x26: {  	[sflag:s23] =	ssyncset.done $0x0  }
0x27: {  	[sflag:s23] =	ssyncadd.s32 $0xFFFF9C00  }
.LBB2_1:
0x28: {  	[tilespmem:s2], [sflag:$0x7] =	stream.linear.gather [hbm4b:s4+s2], $0x8000, $0x38;
	[tilespmem:$0x1AC00] =	vst v63  }
0x29: {  	_ =	swait.ge [sflag:s9], $0x8000  }
0x2a: {  	[sflag:s9] =	ssyncset.done $0x0  }
0x2b: {  	[sflag:s9] =	ssyncadd.s32 $0xFFFF8000  }
0x2c: {  	[tilespmem:s11], [sflag:$0x1] =	stream.indirect.gather [hbm4b:s3+s10], $0x80, s2, s10, $0xb8;
	[tilespmem:$0x1AC00] =	vst v63  }
0x2d: {  	_ = 	snop  }
0x2e: {  	[tilespmem:s13], [sflag:$0x1] =	stream.indirect.gather [hbm4b:s3+s12], $0x80, s10, s12, $0xb8;
	[tilespmem:$0x1AC00] =	vst v63  }
.Ltmp2:
0x2f: {  	_ = 	snop;
	(pc) =	sbr.rel .LBB2_2-.Ltmp2, $4  }
0x30: {  	_ = 	snop  }
0x31: {  	[tilespmem:s15], [sflag:$0x2] =	stream.indirect.gather [hbm4b:s3+s10], $0x80, s14, s10, $0xb8;
	[tilespmem:$0x1AC00] =	vst v63  }
0x32: {  	s28 =	smov.u32 s8;
	s29 =	simm.s32 $0x0;
	s30 =	simm.s32 $0x0  }
0x33: {  	[tilespmem:s17], [sflag:$0x2] =	stream.indirect.gather [hbm4b:s3+s12], $0x80, s16, s12, $0xb8;
	[tilespmem:$0x1AC00] =	vst v63  }
.LBB2_5:
0x34: {  	s31 =	sshra.s32 s29, $0x2  }
0x35: {  	s0 =	sadd.s32 $0x200, s31  }
0x36: {  	[tilespmem:s18], [sflag:$0x3] =	stream.indirect.gather [hbm4b:s3+s10], $0x80, s0, s10, $0xb8;
	[tilespmem:$0x1AC00] =	vst v63  }
0x37: {  	s31 =	sadd.s32 $0x280, s31  }
0x38: {  	[tilespmem:s19], [sflag:$0x3] =	stream.indirect.gather [hbm4b:s3+s12], $0x80, s31, s12, $0xb8;
	[tilespmem:$0x1AC00] =	vst v63  }
.LBB2_6:
0x39: {  	_ =	swait.ge [sflag:s20], $0x4000  }
0x3a: {  	[sflag:s20] =	ssyncset.done $0x0  }
0x3b: {  	[sflag:s20] =	ssyncadd.s32 $0xFFFFC000  }
0x3c: {  	_ =	swait.ge [sflag:s20], $0x2400  }
0x3d: {  	[sflag:s20] =	ssyncset.done $0x0  }
0x3e: {  	s0 =	sadd.s32 $0xFFFFF380, s28;
	[sflag:s20] =	ssyncadd.s32 $0xFFFFDC00  }
0x3f: {  	[hbm4b:s0+s2] =	stream.linear.scatter [tilespmem:s11], [sflag:$0x4], $0x6400, $0x38;
	[tilespmem:$0x1AC00] =	vst v63  }
0x40: {  	_ =	swait.ge [sflag:s21], $0x6400  }
0x41: {  	s0 =	sshra.s32 s29, $0x2;
	[sflag:s21] =	ssyncset.done $0x0  }
0x42: {  	s31 =	sadd.s32 $0x300, s0;
	[sflag:s21] =	ssyncadd.s32 $0xFFFF9C00  }
0x43: {  	[tilespmem:s11], [sflag:$0x1] =	stream.indirect.gather [hbm4b:s3+s10], $0x80, s31, s10, $0xb8;
	[tilespmem:$0x1AC00] =	vst v63  }
0x44: {  	s31 =	sadd.s32 $0x380, s0  }
0x45: {  	[tilespmem:s13], [sflag:$0x1] =	stream.indirect.gather [hbm4b:s3+s12], $0x80, s31, s12, $0xb8;
	[tilespmem:$0x1AC00] =	vst v63  }
0x46: {  	_ =	swait.ge [sflag:s22], $0x4000  }
0x47: {  	[sflag:s22] =	ssyncset.done $0x0  }
0x48: {  	[sflag:s22] =	ssyncadd.s32 $0xFFFFC000  }
0x49: {  	_ =	swait.ge [sflag:s22], $0x2400  }
0x4a: {  	[sflag:s22] =	ssyncset.done $0x0  }
0x4b: {  	[sflag:s22] =	ssyncadd.s32 $0xFFFFDC00  }
0x4c: {  	[hbm4b:s28+s2] =	stream.linear.scatter [tilespmem:s15], [sflag:$0x5], $0x6400, $0x38;
	[tilespmem:$0x1AC00] =	vst v63  }
0x4d: {  	_ =	swait.ge [sflag:s23], $0x6400  }
0x4e: {  	[sflag:s23] =	ssyncset.done $0x0  }
0x4f: {  	s31 =	sadd.s32 $0x400, s0;
	[sflag:s23] =	ssyncadd.s32 $0xFFFF9C00  }
0x50: {  	[tilespmem:s15], [sflag:$0x2] =	stream.indirect.gather [hbm4b:s3+s10], $0x80, s31, s10, $0xb8;
	[tilespmem:$0x1AC00] =	vst v63  }
0x51: {  	s0 =	sadd.s32 $0x480, s0  }
0x52: {  	[tilespmem:s17], [sflag:$0x2] =	stream.indirect.gather [hbm4b:s3+s12], $0x80, s0, s12, $0xb8;
	[tilespmem:$0x1AC00] =	vst v63  }
0x53: {  	s29 =	sadd.s32 $0xC00, s29;
	_ =	swait.ge [sflag:s24], $0x4000  }
0x54: {  	p0 =	sne.s32 s29, $0x1F800;
	[sflag:s24] =	ssyncset.done $0x0  }
.Ltmp3:
0x55: {  	[sflag:s24] =	ssyncadd.s32 $0xFFFFC000;
	(pc) =	sbr.rel @!p0 .LBB2_7-.Ltmp3, $4  }
0x56: {  	_ =	swait.ge [sflag:s24], $0x2400  }
0x57: {  	s30 =	sadd.s32 $0x1, s30;
	[sflag:s24] =	ssyncset.done $0x0  }
0x58: {  	s31 =	sadd.s32 $0xC80, s28;
	s28 =	sadd.s32 $0x2580, s28;
	[sflag:s24] =	ssyncadd.s32 $0xFFFFDC00  }
0x59: {  	[hbm4b:s31+s2] =	stream.linear.scatter [tilespmem:s18], [sflag:$0x6], $0x6400, $0x38;
	[tilespmem:$0x1AC00] =	vst v63  }
.LBB2_2:
0x5a: {  	p0 =	seq.s32 s30, $0x0  }
.Ltmp4:
0x5b: {  	_ = 	snop;
	(pc) =	sbr.rel @p0 .LBB2_5-.Ltmp4, $1  }
0x5c: {  	_ =	sdelay $0x3  }
0x5d: {  	p0 =	seq.s32 s30, $0x2A  }
.Ltmp5:
0x5e: {  	_ = 	snop;
	(pc) =	sbr.rel @p0 .LBB2_6-.Ltmp5, $1  }
0x5f: {  	_ =	sdelay $0x3  }
.Ltmp6:
0x60: {  	(pc) =	sbr.rel .LBB2_5-.Ltmp6, $4  }
0x61: {  	_ = 	snop  }
0x62: {  	_ =	swait.ge [sflag:s25], $0x6400  }
0x63: {  	[sflag:s25] =	ssyncset.done $0x0  }
0x64: {  	[sflag:s25] =	ssyncadd.s32 $0xFFFF9C00  }
.LBB2_8:
0x65: {  	_ =	sfence.sel $0x180000  }
0x66: {  	[bflag:$0x0] =	sbarrier.arrive $0xFFFF  }
0x67: {  	_ =	strace $0x90000047  }
0x68: {  	[bflag:$0x2] =	sbarrier.arrive $0xFFFF  }
0x69: {  	p0 =	sne.s32 s1, $0x0;
	s0 =	rddreg [dreg:$0x1]  }
0x6a: {  	s0 =	sadd.s32 @!p0 $0x100000, s0  }
0x6b: {  	[sflag:s0] =	ssyncadd.tile.s32 @!p0 $0x1;
	_ =	shalt  }
.Lfunc_end2:
_tile_overlayer_lowered:
.L_overlay_start_2:
0x6c: {  	(tag) =	ssettag $0x2  }
0x6d: {  	s0 =	rddreg [dreg:$0x0];
	s2 =	stileid.u32  }
0x6e: {  	s1 =	rddreg [dreg:$0x1];
	p0 =	sne.s32 s2, $0x0  }
0x6f: {  	s3 =	rddreg [dreg:$0x2];
	[bflag:$0x3] =	sbarrier.arrive $0xFFFF;
	s2 =	simm.s32 @!p0 $0x1C07  }
0x70: {  	[timem:s3], [sflag:s2] =	dma.local @!p0 [hbm:s0], s1  }
0x71: {  	s0 =	simm.s32 @!p0 $0x7  }
0x72: {  	_ =	swait.ge @!p0 [sflag:s0], s1  }
0x73: {  	s1 =	ssub.s32 @!p0 $0x0, s1;
	[sflag:s0] =	ssyncset.done @!p0 $0x0  }
0x74: {  	[sflag:s0] =	ssyncadd.s32 @!p0 s1  }
0x75: {  	[bflag:$0x3] =	sbarrier.arrive $0xFFFF  }
0x76: {  	_ =	shalt  }

// kernel: sparse-core-data-format-call.cloned.1.call-start
scs
called_computation_lowered:
.L_overlay_start_0:
0x0: {  	s2 =	sld [smem:$0x3FD9]  }
0x1: {  	s3 =	sld [smem:$0x3FFE];
	_ =	sdelay $0x1  }
0x2: {  	s1 =	srdreg.scid  }
0x3: {  	s0 =	sand.u32 $0x1, s1  }
0x4: {  	s18 =	sshll.u32 s0, $0xA;
	s2 =	sadd.s32 s3, s2  }
0x5: {  	s2 =	sadd.s32 s2, s18  }
0x6: {  	[smem:$0x3FC6] =	sst s2  }
0x7: {  	_ = 	snop  }
0x8: {  	s2 =	sld [smem:$0x3FD0];
	(tm) =	ssettm $0x1  }
0x9: {  	s19 =	sld [smem:$0x3FFB];
	_ =	sdelay $0x3  }
0xa: {  	_ =	strace s19  }
0xb: {  	s3 =	sld [smem:$0x3FFC];
	_ =	sdelay $0x3  }
0xc: {  	_ =	strace s3  }
0xd: {  	s3 =	sld [smem:$0x3FFD];
	_ =	sdelay $0x3  }
0xe: {  	_ =	strace s3  }
0xf: {  	_ =	strace $0x8FFFFFFF  }
0x10: {  	s20 =	sld [smem:$0x3FDB];
	_ =	sdelay $0x1  }
0x11: {  	s4 =	simm.s32 $_scs_section_size  }
0x12: {  	s5 =	simm.s32 $_size__tile_overlayer_lowered;
	s6 =	simm.s32 $_tile_overlayer_lowered  }
0x13: {  	s23 =	simm.s32 $0x1BFF;
	s22 =	sshll.u32 s6, $0x1;
	s3 =	sadd.s32 s4, s20  }
0x14: {  	s7 =	simm.s32 $0x0;
	s21 =	sshll.u32 s5, $0x1;
	s5 =	sadd.s32 s22, s3  }
0x15: {  	[timem:s7], [sflag:s23] =	dma.local [hbm:s5], s21  }
0x16: {  	_ =	swait.ge [sflag:s23], s21  }
0x17: {  	s4 =	ssub.s32 $0x0, s21;
	[sflag:s23] =	ssyncset.done $0x0  }
0x18: {  	[sflag:s23] =	ssyncadd.s32 s4;
	_ =	sdelay $0x1  }
0x19: {  	s24 =	simm.s32 $0x1B8B  }
0x1a: {  	_ =	swait.ge [sflag:s24], $0x1  }
0x1b: {  	[sflag:s24] =	ssyncset.done $0x0  }
0x1c: {  	s26 =	simm.s32 $0x1B8E;
	s25 =	sld [smem:$0x3FFE];
	[sflag:s24] =	ssyncadd.s32 $0xFFFFFFFF  }
0x1d: {  	s27 =	simm.s32 $execute0_lowered;
	[smem:$0x3FD2] =	sst s26  }
0x1e: {  	s5 =	sshll.u32 s27, $0x1;
	_ =	strace $0x80000049;
	[dreg:$0x1] =	wrdreg $0xFFFFFFFF  }
0x1f: {  	s28 =	simm.s32 $_size_execute0_lowered;
	s3 =	sadd.s32 s3, s5;
	[dreg:$0x0] =	wrdreg $0x0  }
0x20: {  	s5 =	sshll.u32 s28, $0x1;
	[dreg:$0x2] =	wrdreg s3  }
0x21: {  	[dreg:$0x3] =	wrdreg s5  }
0x22: {  	[dreg:$0x4] =	wrdreg $0xC0  }
0x23: {  	_ =	task [dreg:s7], $0x5FFFF  }
0x24: {  	[dreg:$0x1] =	wrdreg $0xFFFFFFFF  }
0x25: {  	[dreg:$0x0] =	wrdreg $0x60  }
0x26: {  	[dreg:$0x2] =	wrdreg s25  }
0x27: {  	[dreg:$0x3] =	wrdreg s2  }
0x28: {  	[dreg:$0x4] =	wrdreg $0x9  }
0x29: {  	_ =	task.clear_ibuf [dreg:s7], $0x5FFFF;
	_ =	strace $0x90000049  }
0x2a: {  	s29 =	simm.s32 $0x9;
	_ =	strace $0x8000004B  }
0x2b: {  	_ =	swait.ge [sflag:s29], $0x1  }
0x2c: {  	[sflag:s29] =	ssyncadd.s32 $0xFFFFFFFF  }
0x2d: {  	_ =	strace $0x9000004B  }
0x2e: {  	_ =	sfence  }
0x2f: {  	s30 =	sld [smem:$0x0];
	_ =	sdelay $0x2  }
0x30: {  	s31 =	sshll.u32 s1, $0xD;
	s1 =	sshrl.u32 s1, $0x2  }
0x31: {  	s3 =	sand.u32 $0x4000, s31;
	s1 =	sadd.s32 s1, s30  }
0x32: {  	s0 =	sor.u32 s3, s0;
	s1 =	sshll.u32 s1, $0x11  }
0x33: {  	s0 =	sor.u32 s1, s0  }
0x34: {  	s0 =	sadd.s32 $0x8F2B, s0  }
0x35: {  	[sflag:s0] =	ssyncadd.remote.s32 $0x1  }
0x36: {  	_ =	sfence.sel $0xFFFF  }
0x37: {  	[dreg:$0x0] =	wrdreg $0xFFFFFFFF;
	(pc) =	sbr.abs _section_cstart, $3  }
0x38: {  	[dreg:$0x1] =	wrdreg $0xFFFFFFFF  }
0x39: {  	_ =	task.clear_ibuf [dreg:s7], $0x2FFFF;
	_ =	strace $0x9FFFFFFF  }
0x3a: {  	(tm) =	ssettm $0x7FFFFFFF  }
0x3b: {  	_ =	shalt  }
tec
execute0_lowered:
.L_overlay_start_1:
0x0: {  	(tag) =	ssettag $0x1  }
0x1: {  	s0 =	srdreg.scid  }
0x2: {  	s1 =	sshll.u32 s0, $0x4  }
0x3: {  	s0 =	stileid.u32;
	s1 =	sand.u32 $0x10, s1  }
0x4: {  	s1 =	sor.u32 s0, s1  }
0x5: {  	s6 =	rddreg [dreg:$0x0];
	s4 =	simm.s32 $0x1;
	s2 =	sshll.u32 s1, $0x7  }
0x6: {  	s7 =	simm.s32 $0x2;
	s12 =	simm.s32 $0x0;
	s1 =	ssub.s32 $0x1000, s2  }
0x7: {  	s8 =	simm.s32 $0x8000;
	s13 =	simm.s32 $0x0;
	s3 =	sand.u32 $0xF80, s1  }
0x8: {  	s9 =	simm.s32 $0x0;
	s5 =	sshrl.u32 s1, $0xC;
	p0 =	sne.s32 s3, $0x0  }
.Ltmp0:
0x9: {  	s1 =	rddreg [dreg:$0x2];
	s4 =	simm.s32 @!p0 $0x0;
	(pc) =	sbr.rel .LBB1_1-.Ltmp0, $4  }
0xa: {  	s11 =	simm.s32 $0x0;
	s3 =	rddreg [dreg:$0x1];
	s5 =	sadd.s32 s4, s5  }
0xb: {  	_ =	strace $0x8000004A;
	s4 =	simm.s32 $0x1;
	s5 =	smul.u32 $0xC8, s5  }
0xc: {  	s6 =	sadd.s32 $0x1A7400, s6;
	s10 =	smov.u32 s2;
	[sflag:s4] =	ssyncpa.u1 $0x0  }
0xd: {  	p0 =	por $0x0, $0x0;
	[sflag:s7] =	ssyncpa.u1 $0x0;
	s7 =	sor.u32 $0x1, s5  }
.LBB1_4:
0xe: {  	s16 =	sshll.u32 s13, $0x3;
	s17 =	sand.u32 $0x78, s13  }
0xf: {  	s30 =	sand.u32 $0x7E00, s13;
	s12 =	sshll.u32 s12, $0xF;
	s16 =	sand.u32 $0xC00, s16  }
0x10: {  	[tilespmem:s15+$0x810 ss:$0x81] =	vst.msk $0xffff, v2;
	s31 =	sand.u32 $0x7, s13;
	s16 =	sor.u32 s17, s16;
	s17 =	sadd.s32 s3, s30  }
0x11: {  	[tilespmem:s15+$0x1020 ss:$0x81] =	vst.msk $0xffff, v0;
	s13 =	sshll.u32 s31, $0x12;
	s12 =	sadd.s32 s12, s17;
	s16 =	sshrl.u32 s16, $0x3  }
0x12: {  	[tilespmem:s15+$0x0 ss:$0x81] =	vst.msk $0xffff, v1;
	s13 =	sor.u32 $0x400, s13;
	s12 =	sadd.s32 s16, s12  }
0x13: {  	[hbm4b:s12+s13] =	stream.strided.scatter [tilespmem:s14], [sflag:$0x2], $0x2000, s8, s13, $0x20;
	[tilespmem:$0x8080] =	vst v63  }
.LBB1_5:
0x14: {  	s14 =	sadd.s32 $0x1, s9  }
0x15: {  	s12 =	sadd.s32 $0x1000, s10;
	s16 =	smov.u32 s10;
	p2 =	sgt.s32 s14, $0xC7  }
0x16: {  	s16 =	smov.u32 @p2 s12  }
0x17: {  	s14 =	simm.s32 @p2 $0x0;
	p2 =	sgt.s32 s16, $0xFFF  }
0x18: {  	s16 =	smov.u32 @p2 s2;
	p2 =	sne.s32 s11, s7  }
.Ltmp1:
0x19: {  	p1 =	slt.u32 s11, $0x2;
	(pc) =	sbr.rel @!p2 .LBB1_6-.Ltmp1, $4  }
0x1a: {  	s15 =	simm.s32 @!p1 $0x2  }
0x1b: {  	s13 =	smov.u32 s10;
	p0 =	por !p0, !p0;
	_ =	swait.ge @!p1 [sflag:s15], $0x2000  }
0x1c: {  	s12 =	smov.u32 s9;
	[sflag:s15] =	ssyncset.done @!p1 $0x0;
	s9 =	smov.u32 s14  }
0x1d: {  	s11 =	sadd.s32 $0x1, s11;
	[sflag:s15] =	ssyncadd.s32 @!p1 $0xFFFFE000;
	s10 =	smov.u32 s16  }
.LBB1_1:
0x1e: {  	p1 =	sge.u32 s11, s5  }
0x1f: {  	s14 =	sand.u32 @!p1 $0x1FFFFFF, s9  }
0x20: {  	s15 =	smulhi.u32 @!p1 $0x147AE15, s14;
	_ =	sdelay $0x1  }
0x21: {  	s15 =	smul.u32 @!p1 $0xC8, s15  }
0x22: {  	s16 =	sxor.u32 @!p1 $0xFFFFFFFF, s11;
	s17 =	smul.u32 @!p1 $0xC80, s10  }
0x23: {  	s31 =	sadd.s32 $0xFFFFFFFF, s11;
	s16 =	sshll.u32 @!p1 s16, $0xD;
	s14 =	ssub.s32 @!p1 s14, s15  }
0x24: {  	s15 =	sand.u32 @!p1 $0x2000, s16;
	s16 =	sadd.s32 @!p1 s6, s17;
	s14 =	sshll.u32 @!p1 s14, $0x4  }
0x25: {  	s17 =	simm.s32 @!p1 $0x6400;
	s14 =	sadd.s32 @!p1 s14, s16;
	s16 =	simm.s32 @!p1 $0x40  }
0x26: {  	[tilespmem:s15], [sflag:$0x1] =	stream.strided.gather @!p1 [hbm4b:s14+s16], $0x2000, s17, s16, $0x38;
	[tilespmem:$0x8080] =	vst v63  }
0x27: {  	p1 =	sge.u32 s31, s5  }
.Ltmp2:
0x28: {  	_ = 	snop;
	(pc) =	sbr.rel @p1 .LBB1_5-.Ltmp2, $1  }
0x29: {  	_ =	sdelay $0x3  }
0x2a: {  	s14 =	simm.s32 $0x1  }
0x2b: {  	_ =	swait.ge [sflag:s4], $0x2000;
	s14 =	simm.s32 @!p0 $0x0  }
0x2c: {  	[sflag:s4] =	ssyncset.done $0x0;
	s15 =	sshll.u32 s14, $0xD  }
0x2d: {  	[sflag:s4] =	ssyncadd.s32 $0xFFFFE000;
	s18 =	sor.u32 $0x20, s15  }
0x2e: {  	s14 =	smul.u32 $0x8100, s14;
	v3 =	vld [tilespmem:s18+$0x10]  }
0x2f: {  	s30 =	sand.u32 $0x1, s11;
	v2 =	vld [tilespmem:s18+$0xFFFFFFF0]  }
0x30: {  	s15 =	smul.u32 $0x8100, s30;
	s14 =	sshrl.u32 s14, $0x2;
	v0 =	vld [tilespmem:s18+$0x0]  }
0x31: {  	v1 =	vld [tilespmem:s18+$0xFFFFFFE0];
	s16 =	sor.u32 $0x4000, s14  }
0x32: {  	s31 =	sshrl.u32 s15, $0x2;
	s15 =	sadd.s32 $0x0, s16  }
0x33: {  	s17 =	simm.s32 $0x4;
	s18 =	sadd.s32 $0x40, s18;
	s14 =	sor.u32 $0x4000, s31;
	[tilespmem:s15+$0x1830 ss:$0x81] =	vst.msk $0xffff, v3  }
.LBB1_3:
0x34: {  	v3 =	vld [tilespmem:s18+$0x10];
	p1 =	sne.s32 s17, $0x1FC;
	[tilespmem:s15+$0x810 ss:$0x81] =	vst.msk $0xffff, v2;
	s19 =	smov.u32 s17;
	s17 =	sadd.s32 $0x4, s17  }
.Ltmp3:
0x35: {  	v2 =	vld [tilespmem:s18+$0xFFFFFFF0];
	[tilespmem:s15+$0x1020 ss:$0x81] =	vst.msk $0xffff, v0;
	(pc) =	sbr.rel @p1 .LBB1_3-.Ltmp3, $4  }
0x36: {  	v0 =	vld [tilespmem:s18+$0x0];
	[tilespmem:s15+$0x0 ss:$0x81] =	vst.msk $0xffff, v1  }
0x37: {  	s15 =	sshra.s32 s19, $0x2;
	v1 =	vld [tilespmem:s18+$0xFFFFFFE0]  }
0x38: {  	s15 =	sadd.s32 s15, s16  }
0x39: {  	s18 =	sadd.s32 $0x40, s18;
	[tilespmem:s15+$0x1830 ss:$0x81] =	vst.msk $0xffff, v3  }
.Ltmp4:
0x3a: {  	_ = 	snop;
	(pc) =	sbr.rel .LBB1_4-.Ltmp4, $1  }
0x3b: {  	_ =	sdelay $0x3  }
.LBB1_6:
0x3c: {  	_ =	sfence.sel $0x180000  }
0x3d: {  	s2 =	simm.s32 $0x1;
	[bflag:$0x0] =	sbarrier.arrive $0xFFFF  }
0x3e: {  	s31 =	simm.s32 $0x2;
	[sflag:s2] =	ssyncpa.u1 $0x1  }
0x3f: {  	[sflag:s31] =	ssyncpa.u1 $0x1  }
0x40: {  	p0 =	sne.s32 s0, $0x0;
	_ =	strace $0x9000004A  }
0x41: {  	s0 =	sadd.s32 @!p0 $0x100000, s1;
	[bflag:$0x2] =	sbarrier.arrive $0xFFFF  }
0x42: {  	[sflag:s0] =	ssyncadd.tile.s32 @!p0 $0x1;
	_ =	shalt  }
.Lfunc_end1:
_tile_overlayer_lowered:
.L_overlay_start_2:
0x43: {  	(tag) =	ssettag $0x2  }
0x44: {  	s0 =	rddreg [dreg:$0x0];
	s2 =	stileid.u32  }
0x45: {  	s1 =	rddreg [dreg:$0x1];
	p0 =	sne.s32 s2, $0x0  }
0x46: {  	s3 =	rddreg [dreg:$0x2];
	[bflag:$0x3] =	sbarrier.arrive $0xFFFF;
	s2 =	simm.s32 @!p0 $0x1C01  }
0x47: {  	[timem:s3], [sflag:s2] =	dma.local @!p0 [hbm:s0], s1  }
0x48: {  	s0 =	simm.s32 @!p0 $0x1  }
0x49: {  	_ =	swait.ge @!p0 [sflag:s0], s1  }
0x4a: {  	s1 =	ssub.s32 @!p0 $0x0, s1;
	[sflag:s0] =	ssyncset.done @!p0 $0x0  }
0x4b: {  	[sflag:s0] =	ssyncadd.s32 @!p0 s1  }
0x4c: {  	[bflag:$0x3] =	sbarrier.arrive $0xFFFF  }
0x4d: {  	_ =	shalt  }

</sc_bundles>
